<compile_context>
chip_gen: v7x
topology: tpu7x:2x2x1
jax: 0.10.2.dev20260603
libtpu: 0.0.44.dev20260713+nightly
codegen_flags: <defaults>
</compile_context>

<pallas_src>
import functools

import jax
import jax.numpy as jnp
from jax import lax
from jax.experimental import pallas as pl
from jax.experimental.pallas import tpu as pltpu
from jax.experimental.pallas import tpu_sc as plsc

B, S, D, E, H = 1, 2048, 768, 8, 1024
T = B * S
TILE = 256
MAX_TILES = 16
P = MAX_TILES * TILE
CHUNK = 128
NCH = T // CHUNK

_INV_SQRT2 = 0.7071067811865476


def _gate_body(x_ref, wg_ref, bg_ref, pos_ref, meta_ref):
    xf = x_ref[0]
    scores = jnp.dot(xf, wg_ref[...],
                     preferred_element_type=jnp.float32) + bg_ref[...]
    m = jnp.max(scores, axis=1, keepdims=True)
    eidx = lax.broadcasted_iota(jnp.int32, (T, E), 1)
    sel = jnp.min(jnp.where(scores >= m, eidx, E), axis=1,
                  keepdims=True)
    onehot = (eidx == sel).astype(jnp.float32)
    counts = jnp.sum(onehot, axis=0, keepdims=True)
    ntiles = jnp.floor((counts + (TILE - 1)) * (1.0 / TILE))
    lt = (eidx < sel).astype(jnp.float32)
    rowoff = TILE * jnp.sum(ntiles * lt, axis=1, keepdims=True)
    tri = (lax.broadcasted_iota(jnp.int32, (CHUNK, CHUNK), 1)
           <= lax.broadcasted_iota(jnp.int32, (CHUNK, CHUNK), 0)
           ).astype(jnp.float32)
    carry = jnp.zeros((1, E), dtype=jnp.float32)
    for c in range(NCH):
        oh_c = onehot[c * CHUNK:(c + 1) * CHUNK]
        csum = jnp.dot(tri, oh_c, preferred_element_type=jnp.float32) + carry
        rank = jnp.sum(csum * oh_c, axis=1, keepdims=True) - 1.0
        pos_c = rank + rowoff[c * CHUNK:(c + 1) * CHUNK]
        pos_ref[c * CHUNK:(c + 1) * CHUNK, :] = pos_c.astype(jnp.int32)
        carry = csum[CHUNK - 1:CHUNK, :]
    i8 = (lax.broadcasted_iota(jnp.int32, (E, E), 0)
          == lax.broadcasted_iota(jnp.int32, (E, E), 1)).astype(jnp.float32)
    l8 = (lax.broadcasted_iota(jnp.int32, (E, E), 1)
          <= lax.broadcasted_iota(jnp.int32, (E, E), 0)).astype(jnp.float32)
    ones81 = jnp.ones((E, 1), dtype=jnp.float32)
    nt_sub = jnp.dot(i8 * ntiles, ones81,
                     preferred_element_type=jnp.float32)
    cnt_sub = jnp.dot(i8 * counts, ones81,
                      preferred_element_type=jnp.float32)
    cum_sub = jnp.dot(l8, nt_sub,
                      preferred_element_type=jnp.float32)
    eidx_sub = lax.broadcasted_iota(jnp.int32, (E, 1), 0).astype(jnp.float32)
    lue = jnp.max(jnp.where(cnt_sub > 0, eidx_sub, 0.0),
                  axis=0, keepdims=True)
    nu = jnp.max(cum_sub, axis=0, keepdims=True)
    ti = lax.broadcasted_iota(jnp.int32, (E, MAX_TILES), 1).astype(jnp.float32)
    te = jnp.sum((cum_sub <= ti).astype(jnp.float32),
                 axis=0, keepdims=True)
    te = jnp.minimum(te, lue)
    prev = jnp.concatenate([jnp.full((1, 1), -1.0, jnp.float32),
                            te[:, :MAX_TILES - 1]], axis=1)
    ch = (te != prev).astype(jnp.float32)
    lt16 = (lax.broadcasted_iota(jnp.int32, (MAX_TILES, MAX_TILES), 0)
            <= lax.broadcasted_iota(jnp.int32, (MAX_TILES, MAX_TILES), 1)
            ).astype(jnp.float32)
    dense = jnp.dot(ch, lt16, preferred_element_type=jnp.float32)
    slot = dense - 3.0 * jnp.floor(dense * (1.0 / 3.0))
    meta = jnp.concatenate(
        [te, slot, jnp.broadcast_to(nu, (1, E))], axis=1)
    meta_ref[...] = meta.astype(jnp.int32)


def _mlp_body(m_ref, x_ref, w1_ref, b1_ref, w2_ref, b2_ref, o_ref,
              w1_buf, w2_buf, sem1, sem2):
    i = pl.program_id(0)
    nu = m_ref[0, 2 * MAX_TILES]

    def start_w(e, s):
        pltpu.make_async_copy(w1_ref.at[e], w1_buf.at[s], sem1.at[s]).start()
        pltpu.make_async_copy(w2_ref.at[e], w2_buf.at[s], sem2.at[s]).start()

    def wait_w(s):
        pltpu.make_async_copy(w1_ref.at[0], w1_buf.at[s], sem1.at[s]).wait()
        pltpu.make_async_copy(w2_ref.at[0], w2_buf.at[s], sem2.at[s]).wait()

    @pl.when(i < nu)
    def _():
        te_i = m_ref[0, i]
        sl_i = m_ref[0, MAX_TILES + i]
        i1 = jnp.minimum(i + 1, MAX_TILES - 1)
        i2 = jnp.minimum(i + 2, MAX_TILES - 1)
        te_1, sl_1 = m_ref[0, i1], m_ref[0, MAX_TILES + i1]
        te_2, sl_2 = m_ref[0, i2], m_ref[0, MAX_TILES + i2]
        te_p = m_ref[0, jnp.maximum(i - 1, 0)]

        @pl.when(i == 0)
        def _():
            start_w(te_i, sl_i)

            @pl.when(te_1 != te_i)
            def _():
                start_w(te_1, sl_1)

        @pl.when((i == 0) | (te_i != te_p))
        def _():
            wait_w(sl_i)

        @pl.when(te_2 != te_1)
        def _():
            start_w(te_2, sl_2)

        xt = x_ref[...]
        h = jnp.dot(xt, w1_buf[sl_i],
                    preferred_element_type=jnp.float32) + b1_ref[0]
        h = 0.5 * h * (1.0 + lax.erf(h * _INV_SQRT2))
        o_ref[...] = jnp.dot(h, w2_buf[sl_i],
                             preferred_element_type=jnp.float32) + b2_ref[0]


_NC, _NS = 2, 16
_NW = _NC * _NS
_CPW = T // _NW


@functools.cache
def _sc_kernels():
    mesh = plsc.VectorSubcoreMesh(core_axis_name="c", subcore_axis_name="s")

    @functools.partial(
        pl.kernel, mesh=mesh,
        out_type=jax.ShapeDtypeStruct((P, D), jnp.float32),
        scratch_types=[
            pltpu.VMEM((_CPW,), jnp.int32),
            pltpu.VMEM((_CPW, D), jnp.float32),
            pltpu.SemaphoreType.DMA,
        ],
    )
    def _sc_scatter(x_hbm, pos_hbm, xp_hbm, idx_v, rows_v, sem):
        wid = lax.axis_index("s") * _NC + lax.axis_index("c")
        base = wid * _CPW
        pltpu.sync_copy(pos_hbm.at[pl.ds(base, _CPW)], idx_v)
        pltpu.sync_copy(x_hbm.at[0, pl.ds(base, _CPW)], rows_v)
        pltpu.async_copy(rows_v, xp_hbm.at[idx_v], sem).wait()

    @functools.partial(
        pl.kernel, mesh=mesh,
        out_type=jax.ShapeDtypeStruct((B, S, D), jnp.float32),
        scratch_types=[
            pltpu.VMEM((_CPW,), jnp.int32),
            pltpu.VMEM((_CPW, D), jnp.float32),
            pltpu.SemaphoreType.DMA,
        ],
    )
    def _sc_gather(op_hbm, pos_hbm, out_hbm, idx_v, rows_v, sem):
        wid = lax.axis_index("s") * _NC + lax.axis_index("c")
        base = wid * _CPW
        pltpu.sync_copy(pos_hbm.at[pl.ds(base, _CPW)], idx_v)
        pltpu.async_copy(op_hbm.at[idx_v], rows_v, sem).wait()
        pltpu.sync_copy(rows_v, out_hbm.at[0, pl.ds(base, _CPW)])

    return _sc_scatter, _sc_gather


def kernel(x, Wg, bg, W1, b1, W2, b2):
    pos2d, meta = pl.pallas_call(
        _gate_body,
        out_shape=(
            jax.ShapeDtypeStruct((T, 1), jnp.int32),
            jax.ShapeDtypeStruct((1, 2 * MAX_TILES + E), jnp.int32),
        ),
    )(x, Wg, bg.reshape(1, E))

    pos = pos2d.reshape(T)
    sc_scatter, sc_gather = _sc_kernels()
    xp = sc_scatter(x, pos)

    grid_spec = pltpu.PrefetchScalarGridSpec(
        num_scalar_prefetch=1,
        grid=(MAX_TILES,),
        in_specs=[
            pl.BlockSpec(
                (TILE, D),
                lambda i, m: (jnp.minimum(i, m[0, 2 * MAX_TILES] - 1), 0)),
            pl.BlockSpec(memory_space=pl.ANY),
            pl.BlockSpec((1, 1, H), lambda i, m: (m[0, i], 0, 0)),
            pl.BlockSpec(memory_space=pl.ANY),
            pl.BlockSpec((1, 1, D), lambda i, m: (m[0, i], 0, 0)),
        ],
        out_specs=pl.BlockSpec(
            (TILE, D),
            lambda i, m: (jnp.minimum(i, m[0, 2 * MAX_TILES] - 1), 0)),
        scratch_shapes=[
            pltpu.VMEM((3, D, H), jnp.float32),
            pltpu.VMEM((3, H, D), jnp.float32),
            pltpu.SemaphoreType.DMA((3,)),
            pltpu.SemaphoreType.DMA((3,)),
        ],
    )
    op = pl.pallas_call(
        _mlp_body,
        grid_spec=grid_spec,
        out_shape=jax.ShapeDtypeStruct((P, D), jnp.float32),
    )(meta, xp, W1, b1.reshape(E, 1, H), W2, b2.reshape(E, 1, D))

    out = sc_gather(op, pos)
    return out, jnp.zeros((), dtype=jnp.float32)

# --- scband reference (transcript-rebuilt; emitter-appended) ---
"""Pipeline reference for scband-mo-elayer-1322849927962 (READ-ONLY COPY).

The authoritative reference and input builder live on the scoring server;
editing this copy changes nothing except your own understanding.
"""

import jax, jax.numpy as jnp
import numpy as np

B, S, D, E, H = 1, 2048, 768, 8, 1024
TOP_K = 2

def setup_inputs(seed: int = 0) -> dict:
    key = jax.random.key(seed)
    ks = jax.random.split(key, 8)
    return {
        "x": jax.random.normal(ks[0], (B, S, D), dtype=jnp.float32),
        "Wg": jax.random.normal(ks[1], (D, E), dtype=jnp.float32) * 0.02,
        "bg": jnp.zeros((E,), dtype=jnp.float32),
        "W1": jax.random.normal(ks[2], (E, D, H), dtype=jnp.float32) * 0.02,
        "b1": jnp.zeros((E, H), dtype=jnp.float32),
        "W2": jax.random.normal(ks[3], (E, H, D), dtype=jnp.float32) * 0.02,
        "b2": jnp.zeros((E, D), dtype=jnp.float32),
    }

def reference(x, Wg, bg, W1, b1, W2, b2):
    # MoELayer.forward with gate_type='top', gate_noise=0, normalize_gate=False,
    # dropout p=0 (eval semantics). Dispatch uses only topk_indices[:, 0] (top-1).
    b, s, d = x.shape
    xf = x.reshape(-1, d)                      # [T, D]
    gate_scores = xf @ Wg + bg                 # gate linear
    topk_values, topk_indices = jax.lax.top_k(gate_scores, TOP_K)
    sel = topk_indices[:, 0]                   # selected expert per token
    # Compute all experts densely (math-equivalent to per-token expert loop),
    # then select the chosen expert's output per token.
    h = jnp.einsum('td,edh->teh', xf, W1) + b1[None, :, :]
    h = jax.nn.gelu(h, approximate=False)      # nn.GELU default = exact erf GELU
    o = jnp.einsum('teh,ehd->ted', h, W2) + b2[None, :, :]
    out = o[jnp.arange(xf.shape[0]), sel]      # gather selected expert output
    out = out.reshape(b, s, d)
    l_aux = jnp.array(0.0, dtype=jnp.float32)
    return (out, l_aux)

if __name__ == "__main__":
    import jax
    _d = setup_inputs()
    print(jax.jit(kernel)(*tuple(_d.values())))

</pallas_src>

<mosaic_0001>
#map = affine_map<(d0, d1) -> (0, 0)>
#map1 = affine_map<(d0, d1) -> (0)>
#map2 = affine_map<(d0, d1) -> (0, 0, 0)>
module attributes {stable_mosaic.version = 14 : i64} {
  func.func @_sc_gather(%arg0: i32, %arg1: i32, %arg2: memref<4096x768xf32, #tpu.memory_space<hbm>>, %arg3: memref<2048xi32, #tpu.memory_space<hbm>>, %arg4: memref<1x2048x768xf32, #tpu.memory_space<hbm>>, %arg5: memref<64xi32, #tpu.memory_space<vmem>>, %arg6: memref<64x768xf32, #tpu.memory_space<vmem>>, %arg7: memref<!tpu.dma_semaphore, #tpu.memory_space<semaphore_mem>>) attributes {dimension_semantics = [#tpu.dimension_semantics<core_parallel>, #tpu.dimension_semantics<subcore_parallel>], iteration_bounds = array<i64: 2, 16>, scalar_prefetch = 0 : i64, scratch_operands = 3 : i64, tpu.core_type = #tpu.core_type<sc_vector_subcore>, window_params = [{transform_indices = #map}, {transform_indices = #map1}, {transform_indices = #map2}]} {
    %mul3A = arith.constant 2 : i32
    %mul3A_0 = arith.muli %arg1, %mul3A : i32
    %add3A = arith.addi %mul3A_0, %arg0 : i32
    %mul3A_1 = arith.constant 64 : i32
    %mul3A_2 = arith.muli %add3A, %mul3A_1 : i32
    "tpu.region"() ({
      %run_scoped3A_7 = tpu.sem_alloc : memref<!tpu.dma_semaphore, #tpu.memory_space<semaphore_mem>>
      %dma_start3A_8 = tpu.memref_slice %arg3[%mul3A_2] : memref<2048xi32, #tpu.memory_space<hbm>> -> memref<64xi32, #tpu.memory_space<hbm>>
      %dma_start3A_9 = tpu.memref_slice %arg3[%mul3A_2] : memref<2048xi32, #tpu.memory_space<hbm>> -> memref<64xi32, #tpu.memory_space<hbm>>
      tpu.enqueue_dma source(%dma_start3A_9 : memref<64xi32, #tpu.memory_space<hbm>>) target(%arg5 : memref<64xi32, #tpu.memory_space<vmem>>) target_semaphore(%run_scoped3A_7 : memref<!tpu.dma_semaphore, #tpu.memory_space<semaphore_mem>>)
      %dma_wait3A_10 = tpu.memref_slice %arg3[%mul3A_2] : memref<2048xi32, #tpu.memory_space<hbm>> -> memref<64xi32, #tpu.memory_space<hbm>>
      %dma_wait3A_11 = tpu.memref_slice %arg3[%mul3A_2] : memref<2048xi32, #tpu.memory_space<hbm>> -> memref<64xi32, #tpu.memory_space<hbm>>
      tpu.wait_dma2 semaphore(%run_scoped3A_7 : memref<!tpu.dma_semaphore, #tpu.memory_space<semaphore_mem>>) src(%dma_wait3A_11 : memref<64xi32, #tpu.memory_space<hbm>>) dst(%arg5 : memref<64xi32, #tpu.memory_space<vmem>>)
      tpu.yield
    }) : () -> ()
    %dma_start3A = arith.constant 0 : i32
    %dma_start3A_3 = arith.constant 0 : i32
    %dma_start3A_4 = tpu.memref_slice %arg2[%dma_start3A, %dma_start3A_3] : memref<4096x768xf32, #tpu.memory_space<hbm>> -> memref<4096x768xf32, #tpu.memory_space<hbm>>
    tpu.enqueue_indirect_dma source(%dma_start3A_4 : memref<4096x768xf32, #tpu.memory_space<hbm>>) target(%arg6 : memref<64x768xf32, #tpu.memory_space<vmem>>) offsets(%arg5 : memref<64xi32, #tpu.memory_space<vmem>>) semaphore(%arg7 : memref<!tpu.dma_semaphore, #tpu.memory_space<semaphore_mem>>)
    %dma_wait3A = arith.constant 0 : i32
    %dma_wait3A_5 = arith.constant 0 : i32
    %dma_wait3A_6 = tpu.memref_slice %arg2[%dma_wait3A, %dma_wait3A_5] : memref<4096x768xf32, #tpu.memory_space<hbm>> -> memref<4096x768xf32, #tpu.memory_space<hbm>>
    tpu.wait_indirect_dma semaphore(%arg7 : memref<!tpu.dma_semaphore, #tpu.memory_space<semaphore_mem>>) src(%dma_wait3A_6 : memref<4096x768xf32, #tpu.memory_space<hbm>>) dst(%arg6 : memref<64x768xf32, #tpu.memory_space<vmem>>)
    %run_scoped3A = arith.constant 0 : i32
    "tpu.region"() ({
      %run_scoped3A_7 = tpu.sem_alloc : memref<!tpu.dma_semaphore, #tpu.memory_space<semaphore_mem>>
      %dma_start3A_8 = arith.constant 0 : i32
      %dma_start3A_9 = tpu.memref_slice %arg4[%run_scoped3A, %mul3A_2, %dma_start3A_8] : memref<1x2048x768xf32, #tpu.memory_space<hbm>> -> memref<1x64x768xf32, #tpu.memory_space<hbm>>
      %dma_start3A_10 = tpu.memref_squeeze %dma_start3A_9 : memref<1x64x768xf32, #tpu.memory_space<hbm>> -> memref<64x768xf32, #tpu.memory_space<hbm>>
      %dma_start3A_11 = arith.constant 0 : i32
      %dma_start3A_12 = tpu.memref_slice %arg4[%run_scoped3A, %mul3A_2, %dma_start3A_11] : memref<1x2048x768xf32, #tpu.memory_space<hbm>> -> memref<1x64x768xf32, #tpu.memory_space<hbm>>
      %dma_start3A_13 = tpu.memref_squeeze %dma_start3A_12 : memref<1x64x768xf32, #tpu.memory_space<hbm>> -> memref<64x768xf32, #tpu.memory_space<hbm>>
      tpu.enqueue_dma source(%arg6 : memref<64x768xf32, #tpu.memory_space<vmem>>) target(%dma_start3A_13 : memref<64x768xf32, #tpu.memory_space<hbm>>) target_semaphore(%run_scoped3A_7 : memref<!tpu.dma_semaphore, #tpu.memory_space<semaphore_mem>>)
      %dma_wait3A_14 = arith.constant 0 : i32
      %dma_wait3A_15 = tpu.memref_slice %arg4[%run_scoped3A, %mul3A_2, %dma_wait3A_14] : memref<1x2048x768xf32, #tpu.memory_space<hbm>> -> memref<1x64x768xf32, #tpu.memory_space<hbm>>
      %dma_wait3A_16 = tpu.memref_squeeze %dma_wait3A_15 : memref<1x64x768xf32, #tpu.memory_space<hbm>> -> memref<64x768xf32, #tpu.memory_space<hbm>>
      %dma_wait3A_17 = arith.constant 0 : i32
      %dma_wait3A_18 = tpu.memref_slice %arg4[%run_scoped3A, %mul3A_2, %dma_wait3A_17] : memref<1x2048x768xf32, #tpu.memory_space<hbm>> -> memref<1x64x768xf32, #tpu.memory_space<hbm>>
      %dma_wait3A_19 = tpu.memref_squeeze %dma_wait3A_18 : memref<1x64x768xf32, #tpu.memory_space<hbm>> -> memref<64x768xf32, #tpu.memory_space<hbm>>
      tpu.wait_dma2 semaphore(%run_scoped3A_7 : memref<!tpu.dma_semaphore, #tpu.memory_space<semaphore_mem>>) src(%arg6 : memref<64x768xf32, #tpu.memory_space<vmem>>) dst(%dma_wait3A_19 : memref<64x768xf32, #tpu.memory_space<hbm>>)
      tpu.yield
    }) : () -> ()
    return
  }
}

#map = affine_map<(d0, d1) -> (0, 0, 0)>
#map1 = affine_map<(d0, d1) -> (0)>
#map2 = affine_map<(d0, d1) -> (0, 0)>
module attributes {stable_mosaic.version = 14 : i64} {
  func.func @_sc_scatter(%arg0: i32, %arg1: i32, %arg2: memref<1x2048x768xf32, #tpu.memory_space<hbm>>, %arg3: memref<2048xi32, #tpu.memory_space<hbm>>, %arg4: memref<4096x768xf32, #tpu.memory_space<hbm>>, %arg5: memref<64xi32, #tpu.memory_space<vmem>>, %arg6: memref<64x768xf32, #tpu.memory_space<vmem>>, %arg7: memref<!tpu.dma_semaphore, #tpu.memory_space<semaphore_mem>>) attributes {dimension_semantics = [#tpu.dimension_semantics<core_parallel>, #tpu.dimension_semantics<subcore_parallel>], iteration_bounds = array<i64: 2, 16>, scalar_prefetch = 0 : i64, scratch_operands = 3 : i64, tpu.core_type = #tpu.core_type<sc_vector_subcore>, window_params = [{transform_indices = #map}, {transform_indices = #map1}, {transform_indices = #map2}]} {
    %mul3A = arith.constant 2 : i32
    %mul3A_0 = arith.muli %arg1, %mul3A : i32
    %add3A = arith.addi %mul3A_0, %arg0 : i32
    %mul3A_1 = arith.constant 64 : i32
    %mul3A_2 = arith.muli %add3A, %mul3A_1 : i32
    "tpu.region"() ({
      %run_scoped3A_7 = tpu.sem_alloc : memref<!tpu.dma_semaphore, #tpu.memory_space<semaphore_mem>>
      %dma_start3A_8 = tpu.memref_slice %arg3[%mul3A_2] : memref<2048xi32, #tpu.memory_space<hbm>> -> memref<64xi32, #tpu.memory_space<hbm>>
      %dma_start3A_9 = tpu.memref_slice %arg3[%mul3A_2] : memref<2048xi32, #tpu.memory_space<hbm>> -> memref<64xi32, #tpu.memory_space<hbm>>
      tpu.enqueue_dma source(%dma_start3A_9 : memref<64xi32, #tpu.memory_space<hbm>>) target(%arg5 : memref<64xi32, #tpu.memory_space<vmem>>) target_semaphore(%run_scoped3A_7 : memref<!tpu.dma_semaphore, #tpu.memory_space<semaphore_mem>>)
      %dma_wait3A_10 = tpu.memref_slice %arg3[%mul3A_2] : memref<2048xi32, #tpu.memory_space<hbm>> -> memref<64xi32, #tpu.memory_space<hbm>>
      %dma_wait3A_11 = tpu.memref_slice %arg3[%mul3A_2] : memref<2048xi32, #tpu.memory_space<hbm>> -> memref<64xi32, #tpu.memory_space<hbm>>
      tpu.wait_dma2 semaphore(%run_scoped3A_7 : memref<!tpu.dma_semaphore, #tpu.memory_space<semaphore_mem>>) src(%dma_wait3A_11 : memref<64xi32, #tpu.memory_space<hbm>>) dst(%arg5 : memref<64xi32, #tpu.memory_space<vmem>>)
      tpu.yield
    }) : () -> ()
    %run_scoped3A = arith.constant 0 : i32
    "tpu.region"() ({
      %run_scoped3A_7 = tpu.sem_alloc : memref<!tpu.dma_semaphore, #tpu.memory_space<semaphore_mem>>
      %dma_start3A_8 = arith.constant 0 : i32
      %dma_start3A_9 = tpu.memref_slice %arg2[%run_scoped3A, %mul3A_2, %dma_start3A_8] : memref<1x2048x768xf32, #tpu.memory_space<hbm>> -> memref<1x64x768xf32, #tpu.memory_space<hbm>>
      %dma_start3A_10 = tpu.memref_squeeze %dma_start3A_9 : memref<1x64x768xf32, #tpu.memory_space<hbm>> -> memref<64x768xf32, #tpu.memory_space<hbm>>
      %dma_start3A_11 = arith.constant 0 : i32
      %dma_start3A_12 = tpu.memref_slice %arg2[%run_scoped3A, %mul3A_2, %dma_start3A_11] : memref<1x2048x768xf32, #tpu.memory_space<hbm>> -> memref<1x64x768xf32, #tpu.memory_space<hbm>>
      %dma_start3A_13 = tpu.memref_squeeze %dma_start3A_12 : memref<1x64x768xf32, #tpu.memory_space<hbm>> -> memref<64x768xf32, #tpu.memory_space<hbm>>
      tpu.enqueue_dma source(%dma_start3A_13 : memref<64x768xf32, #tpu.memory_space<hbm>>) target(%arg6 : memref<64x768xf32, #tpu.memory_space<vmem>>) target_semaphore(%run_scoped3A_7 : memref<!tpu.dma_semaphore, #tpu.memory_space<semaphore_mem>>)
      %dma_wait3A_14 = arith.constant 0 : i32
      %dma_wait3A_15 = tpu.memref_slice %arg2[%run_scoped3A, %mul3A_2, %dma_wait3A_14] : memref<1x2048x768xf32, #tpu.memory_space<hbm>> -> memref<1x64x768xf32, #tpu.memory_space<hbm>>
      %dma_wait3A_16 = tpu.memref_squeeze %dma_wait3A_15 : memref<1x64x768xf32, #tpu.memory_space<hbm>> -> memref<64x768xf32, #tpu.memory_space<hbm>>
      %dma_wait3A_17 = arith.constant 0 : i32
      %dma_wait3A_18 = tpu.memref_slice %arg2[%run_scoped3A, %mul3A_2, %dma_wait3A_17] : memref<1x2048x768xf32, #tpu.memory_space<hbm>> -> memref<1x64x768xf32, #tpu.memory_space<hbm>>
      %dma_wait3A_19 = tpu.memref_squeeze %dma_wait3A_18 : memref<1x64x768xf32, #tpu.memory_space<hbm>> -> memref<64x768xf32, #tpu.memory_space<hbm>>
      tpu.wait_dma2 semaphore(%run_scoped3A_7 : memref<!tpu.dma_semaphore, #tpu.memory_space<semaphore_mem>>) src(%dma_wait3A_19 : memref<64x768xf32, #tpu.memory_space<hbm>>) dst(%arg6 : memref<64x768xf32, #tpu.memory_space<vmem>>)
      tpu.yield
    }) : () -> ()
    %dma_start3A = arith.constant 0 : i32
    %dma_start3A_3 = arith.constant 0 : i32
    %dma_start3A_4 = tpu.memref_slice %arg4[%dma_start3A, %dma_start3A_3] : memref<4096x768xf32, #tpu.memory_space<hbm>> -> memref<4096x768xf32, #tpu.memory_space<hbm>>
    tpu.enqueue_indirect_dma source(%arg6 : memref<64x768xf32, #tpu.memory_space<vmem>>) target(%dma_start3A_4 : memref<4096x768xf32, #tpu.memory_space<hbm>>) offsets(%arg5 : memref<64xi32, #tpu.memory_space<vmem>>) semaphore(%arg7 : memref<!tpu.dma_semaphore, #tpu.memory_space<semaphore_mem>>)
    %dma_wait3A = arith.constant 0 : i32
    %dma_wait3A_5 = arith.constant 0 : i32
    %dma_wait3A_6 = tpu.memref_slice %arg4[%dma_wait3A, %dma_wait3A_5] : memref<4096x768xf32, #tpu.memory_space<hbm>> -> memref<4096x768xf32, #tpu.memory_space<hbm>>
    tpu.wait_indirect_dma semaphore(%arg7 : memref<!tpu.dma_semaphore, #tpu.memory_space<semaphore_mem>>) src(%arg6 : memref<64x768xf32, #tpu.memory_space<vmem>>) dst(%dma_wait3A_6 : memref<4096x768xf32, #tpu.memory_space<hbm>>)
    return
  }
}

module attributes {stable_mosaic.version = 14 : i64} {
  func.func @_gate_body(%arg0: memref<1x2048x768xf32, #tpu.memory_space<vmem>>, %arg1: memref<768x8xf32, #tpu.memory_space<vmem>>, %arg2: memref<1x8xf32, #tpu.memory_space<vmem>>, %arg3: memref<2048x1xi32, #tpu.memory_space<vmem>>, %arg4: memref<1x40xi32, #tpu.memory_space<vmem>>) attributes {dimension_semantics = [], scalar_prefetch = 0 : i64, scratch_operands = 0 : i64, tpu.core_type = #tpu.core_type<tc>} {
    %get3A = arith.constant 0 : index
    %get3A_0 = arith.constant 0 : index
    %get3A_1 = arith.constant 0 : index
    %get3A_2 = vector.load %arg0[%get3A, %get3A_0, %get3A_1] : memref<1x2048x768xf32, #tpu.memory_space<vmem>>, vector<1x2048x768xf32>
    %get3A_3 = vector.shape_cast %get3A_2 : vector<1x2048x768xf32> to vector<2048x768xf32>
    %get3A_4 = arith.constant 0 : index
    %get3A_5 = arith.constant 0 : index
    %get3A_6 = vector.load %arg1[%get3A_4, %get3A_5] : memref<768x8xf32, #tpu.memory_space<vmem>>, vector<768x8xf32>
    %dot_general3A = arith.constant dense<0.000000e+00> : vector<2048x8xf32>
    %dot_general3A_7 = tpu.matmul %get3A_3, %get3A_6, %dot_general3A {dimension_numbers = #tpu.dot_dimension_numbers<[1], [0], [0], [1], [0, 0, 1, 1], [], []>, transpose_lhs_hint = false} : vector<2048x768xf32>, vector<768x8xf32>, vector<2048x8xf32> -> vector<2048x8xf32>
    %get3A_8 = arith.constant 0 : index
    %get3A_9 = arith.constant 0 : index
    %get3A_10 = vector.load %arg2[%get3A_8, %get3A_9] : memref<1x8xf32, #tpu.memory_space<vmem>>, vector<1x8xf32>
    %add3A = vector.broadcast %get3A_10 : vector<1x8xf32> to vector<2048x8xf32>
    %add3A_11 = arith.addf %dot_general3A_7, %add3A : vector<2048x8xf32>
    %reduce_max3A = arith.constant dense<0xFF800000> : vector<2048xf32>
    %reduce_max3A_12 = vector.multi_reduction <maximumf>, %add3A_11, %reduce_max3A [1] : vector<2048x8xf32> to vector<2048xf32>
    %broadcast_in_dim3A = vector.shape_cast %reduce_max3A_12 : vector<2048xf32> to vector<2048x1xf32>
    %iota3A = tpu.iota {dimensions = array<i32: 1>} : vector<2048x8xi32>
    %ge3A = vector.broadcast %broadcast_in_dim3A : vector<2048x1xf32> to vector<2048x8xf32>
    %ge3A_13 = arith.cmpf oge, %add3A_11, %ge3A : vector<2048x8xf32>
    %jit3A = arith.constant 8 : i32
    %broadcast_in_dim3A_14 = vector.broadcast %jit3A : i32 to vector<2048x8xi32>
    %select_n3A = arith.select %ge3A_13, %iota3A, %broadcast_in_dim3A_14 : vector<2048x8xi1>, vector<2048x8xi32>
    %reduce_min3A = arith.constant dense<2147483647> : vector<2048xi32>
    %reduce_min3A_15 = vector.multi_reduction <minsi>, %select_n3A, %reduce_min3A [1] : vector<2048x8xi32> to vector<2048xi32>
    %broadcast_in_dim3A_16 = vector.shape_cast %reduce_min3A_15 : vector<2048xi32> to vector<2048x1xi32>
    %eq3A = vector.broadcast %broadcast_in_dim3A_16 : vector<2048x1xi32> to vector<2048x8xi32>
    %eq3A_17 = arith.cmpi eq, %iota3A, %eq3A : vector<2048x8xi32>
    %convert_element_type3A = arith.extui %eq3A_17 : vector<2048x8xi1> to vector<2048x8xi32>
    %convert_element_type3A_18 = arith.sitofp %convert_element_type3A : vector<2048x8xi32> to vector<2048x8xf32>
    %reduce_sum3A = arith.constant dense<0.000000e+00> : vector<8xf32>
    %reduce_sum3A_19 = vector.multi_reduction <add>, %convert_element_type3A_18, %reduce_sum3A [0] : vector<2048x8xf32> to vector<8xf32>
    %broadcast_in_dim3A_20 = vector.shape_cast %reduce_sum3A_19 : vector<8xf32> to vector<1x8xf32>
    %add3A_21 = arith.constant 2.550000e+02 : f32
    %add3A_22 = vector.broadcast %add3A_21 : f32 to vector<1x8xf32>
    %add3A_23 = arith.addf %broadcast_in_dim3A_20, %add3A_22 : vector<1x8xf32>
    %mul3A = arith.constant 3.906250e-03 : f32
    %mul3A_24 = vector.broadcast %mul3A : f32 to vector<1x8xf32>
    %mul3A_25 = arith.mulf %add3A_23, %mul3A_24 : vector<1x8xf32>
    %floor3A = math.floor %mul3A_25 : vector<1x8xf32>
    %lt3A = vector.broadcast %broadcast_in_dim3A_16 : vector<2048x1xi32> to vector<2048x8xi32>
    %lt3A_26 = arith.cmpi slt, %iota3A, %lt3A : vector<2048x8xi32>
    %convert_element_type3A_27 = arith.extui %lt3A_26 : vector<2048x8xi1> to vector<2048x8xi32>
    %convert_element_type3A_28 = arith.sitofp %convert_element_type3A_27 : vector<2048x8xi32> to vector<2048x8xf32>
    %mul3A_29 = vector.broadcast %floor3A : vector<1x8xf32> to vector<2048x8xf32>
    %mul3A_30 = arith.mulf %mul3A_29, %convert_element_type3A_28 : vector<2048x8xf32>
    %reduce_sum3A_31 = arith.constant dense<0.000000e+00> : vector<2048xf32>
    %reduce_sum3A_32 = vector.multi_reduction <add>, %mul3A_30, %reduce_sum3A_31 [1] : vector<2048x8xf32> to vector<2048xf32>
    %broadcast_in_dim3A_33 = vector.shape_cast %reduce_sum3A_32 : vector<2048xf32> to vector<2048x1xf32>
    %mul3A_34 = arith.constant 2.560000e+02 : f32
    %mul3A_35 = vector.broadcast %mul3A_34 : f32 to vector<2048x1xf32>
    %mul3A_36 = arith.mulf %mul3A_35, %broadcast_in_dim3A_33 : vector<2048x1xf32>
    %iota3A_37 = tpu.iota {dimensions = array<i32: 1>} : vector<128x128xi32>
    %iota3A_38 = tpu.iota {dimensions = array<i32: 0>} : vector<128x128xi32>
    %le3A = arith.cmpi sle, %iota3A_37, %iota3A_38 : vector<128x128xi32>
    %convert_element_type3A_39 = arith.extui %le3A : vector<128x128xi1> to vector<128x128xi32>
    %convert_element_type3A_40 = arith.sitofp %convert_element_type3A_39 : vector<128x128xi32> to vector<128x128xf32>
    %broadcast_in_dim3A_41 = arith.constant 0.000000e+00 : f32
    %broadcast_in_dim3A_42 = vector.broadcast %broadcast_in_dim3A_41 : f32 to vector<1x8xf32>
    %slice3A = vector.extract_strided_slice %convert_element_type3A_18 {offsets = [0, 0], sizes = [128, 8], strides = [1, 1]} : vector<2048x8xf32> to vector<128x8xf32>
    %dot_general3A_43 = arith.constant dense<0.000000e+00> : vector<128x8xf32>
    %dot_general3A_44 = tpu.matmul %convert_element_type3A_40, %slice3A, %dot_general3A_43 {dimension_numbers = #tpu.dot_dimension_numbers<[1], [0], [0], [1], [0, 0, 1, 1], [], []>, transpose_lhs_hint = false} : vector<128x128xf32>, vector<128x8xf32>, vector<128x8xf32> -> vector<128x8xf32>
    %add3A_45 = vector.broadcast %broadcast_in_dim3A_42 : vector<1x8xf32> to vector<128x8xf32>
    %add3A_46 = arith.addf %dot_general3A_44, %add3A_45 : vector<128x8xf32>
    %mul3A_47 = arith.mulf %add3A_46, %slice3A : vector<128x8xf32>
    %reduce_sum3A_48 = arith.constant dense<0.000000e+00> : vector<128xf32>
    %reduce_sum3A_49 = vector.multi_reduction <add>, %mul3A_47, %reduce_sum3A_48 [1] : vector<128x8xf32> to vector<128xf32>
    %broadcast_in_dim3A_50 = vector.shape_cast %reduce_sum3A_49 : vector<128xf32> to vector<128x1xf32>
    %sub3A = arith.constant 1.000000e+00 : f32
    %sub3A_51 = vector.broadcast %sub3A : f32 to vector<128x1xf32>
    %sub3A_52 = arith.subf %broadcast_in_dim3A_50, %sub3A_51 : vector<128x1xf32>
    %slice3A_53 = vector.extract_strided_slice %mul3A_36 {offsets = [0, 0], sizes = [128, 1], strides = [1, 1]} : vector<2048x1xf32> to vector<128x1xf32>
    %add3A_54 = arith.addf %sub3A_52, %slice3A_53 : vector<128x1xf32>
    %convert_element_type3A_55 = arith.fptosi %add3A_54 : vector<128x1xf32> to vector<128x1xi32>
    %swap3A = arith.constant 0 : index
    %swap3A_56 = arith.constant 0 : index
    %swap3A_57 = vector.load %arg3[%swap3A, %swap3A_56] : memref<2048x1xi32, #tpu.memory_space<vmem>>, vector<128x1xi32>
    tpu.vector_store %arg3[%swap3A, %swap3A_56], %convert_element_type3A_55 {strides = array<i32>} : memref<2048x1xi32, #tpu.memory_space<vmem>>, vector<128x1xi32>,
    %slice3A_58 = vector.extract_strided_slice %add3A_46 {offsets = [127, 0], sizes = [1, 8], strides = [1, 1]} : vector<128x8xf32> to vector<1x8xf32>
    %slice3A_59 = vector.extract_strided_slice %convert_element_type3A_18 {offsets = [128, 0], sizes = [128, 8], strides = [1, 1]} : vector<2048x8xf32> to vector<128x8xf32>
    %dot_general3A_60 = arith.constant dense<0.000000e+00> : vector<128x8xf32>
    %dot_general3A_61 = tpu.matmul %convert_element_type3A_40, %slice3A_59, %dot_general3A_60 {dimension_numbers = #tpu.dot_dimension_numbers<[1], [0], [0], [1], [0, 0, 1, 1], [], []>, transpose_lhs_hint = false} : vector<128x128xf32>, vector<128x8xf32>, vector<128x8xf32> -> vector<128x8xf32>
    %add3A_62 = vector.broadcast %slice3A_58 : vector<1x8xf32> to vector<128x8xf32>
    %add3A_63 = arith.addf %dot_general3A_61, %add3A_62 : vector<128x8xf32>
    %mul3A_64 = arith.mulf %add3A_63, %slice3A_59 : vector<128x8xf32>
    %reduce_sum3A_65 = arith.constant dense<0.000000e+00> : vector<128xf32>
    %reduce_sum3A_66 = vector.multi_reduction <add>, %mul3A_64, %reduce_sum3A_65 [1] : vector<128x8xf32> to vector<128xf32>
    %broadcast_in_dim3A_67 = vector.shape_cast %reduce_sum3A_66 : vector<128xf32> to vector<128x1xf32>
    %sub3A_68 = arith.constant 1.000000e+00 : f32
    %sub3A_69 = vector.broadcast %sub3A_68 : f32 to vector<128x1xf32>
    %sub3A_70 = arith.subf %broadcast_in_dim3A_67, %sub3A_69 : vector<128x1xf32>
    %slice3A_71 = vector.extract_strided_slice %mul3A_36 {offsets = [128, 0], sizes = [128, 1], strides = [1, 1]} : vector<2048x1xf32> to vector<128x1xf32>
    %add3A_72 = arith.addf %sub3A_70, %slice3A_71 : vector<128x1xf32>
    %convert_element_type3A_73 = arith.fptosi %add3A_72 : vector<128x1xf32> to vector<128x1xi32>
    %swap3A_74 = arith.constant 128 : index
    %swap3A_75 = arith.constant 0 : index
    %swap3A_76 = vector.load %arg3[%swap3A_74, %swap3A_75] : memref<2048x1xi32, #tpu.memory_space<vmem>>, vector<128x1xi32>
    tpu.vector_store %arg3[%swap3A_74, %swap3A_75], %convert_element_type3A_73 {strides = array<i32>} : memref<2048x1xi32, #tpu.memory_space<vmem>>, vector<128x1xi32>,
    %slice3A_77 = vector.extract_strided_slice %add3A_63 {offsets = [127, 0], sizes = [1, 8], strides = [1, 1]} : vector<128x8xf32> to vector<1x8xf32>
    %slice3A_78 = vector.extract_strided_slice %convert_element_type3A_18 {offsets = [256, 0], sizes = [128, 8], strides = [1, 1]} : vector<2048x8xf32> to vector<128x8xf32>
    %dot_general3A_79 = arith.constant dense<0.000000e+00> : vector<128x8xf32>
    %dot_general3A_80 = tpu.matmul %convert_element_type3A_40, %slice3A_78, %dot_general3A_79 {dimension_numbers = #tpu.dot_dimension_numbers<[1], [0], [0], [1], [0, 0, 1, 1], [], []>, transpose_lhs_hint = false} : vector<128x128xf32>, vector<128x8xf32>, vector<128x8xf32> -> vector<128x8xf32>
    %add3A_81 = vector.broadcast %slice3A_77 : vector<1x8xf32> to vector<128x8xf32>
    %add3A_82 = arith.addf %dot_general3A_80, %add3A_81 : vector<128x8xf32>
    %mul3A_83 = arith.mulf %add3A_82, %slice3A_78 : vector<128x8xf32>
    %reduce_sum3A_84 = arith.constant dense<0.000000e+00> : vector<128xf32>
    %reduce_sum3A_85 = vector.multi_reduction <add>, %mul3A_83, %reduce_sum3A_84 [1] : vector<128x8xf32> to vector<128xf32>
    %broadcast_in_dim3A_86 = vector.shape_cast %reduce_sum3A_85 : vector<128xf32> to vector<128x1xf32>
    %sub3A_87 = arith.constant 1.000000e+00 : f32
    %sub3A_88 = vector.broadcast %sub3A_87 : f32 to vector<128x1xf32>
    %sub3A_89 = arith.subf %broadcast_in_dim3A_86, %sub3A_88 : vector<128x1xf32>
    %slice3A_90 = vector.extract_strided_slice %mul3A_36 {offsets = [256, 0], sizes = [128, 1], strides = [1, 1]} : vector<2048x1xf32> to vector<128x1xf32>
    %add3A_91 = arith.addf %sub3A_89, %slice3A_90 : vector<128x1xf32>
    %convert_element_type3A_92 = arith.fptosi %add3A_91 : vector<128x1xf32> to vector<128x1xi32>
    %swap3A_93 = arith.constant 256 : index
    %swap3A_94 = arith.constant 0 : index
    %swap3A_95 = vector.load %arg3[%swap3A_93, %swap3A_94] : memref<2048x1xi32, #tpu.memory_space<vmem>>, vector<128x1xi32>
    tpu.vector_store %arg3[%swap3A_93, %swap3A_94], %convert_element_type3A_92 {strides = array<i32>} : memref<2048x1xi32, #tpu.memory_space<vmem>>, vector<128x1xi32>,
    %slice3A_96 = vector.extract_strided_slice %add3A_82 {offsets = [127, 0], sizes = [1, 8], strides = [1, 1]} : vector<128x8xf32> to vector<1x8xf32>
    %slice3A_97 = vector.extract_strided_slice %convert_element_type3A_18 {offsets = [384, 0], sizes = [128, 8], strides = [1, 1]} : vector<2048x8xf32> to vector<128x8xf32>
    %dot_general3A_98 = arith.constant dense<0.000000e+00> : vector<128x8xf32>
    %dot_general3A_99 = tpu.matmul %convert_element_type3A_40, %slice3A_97, %dot_general3A_98 {dimension_numbers = #tpu.dot_dimension_numbers<[1], [0], [0], [1], [0, 0, 1, 1], [], []>, transpose_lhs_hint = false} : vector<128x128xf32>, vector<128x8xf32>, vector<128x8xf32> -> vector<128x8xf32>
    %add3A_100 = vector.broadcast %slice3A_96 : vector<1x8xf32> to vector<128x8xf32>
    %add3A_101 = arith.addf %dot_general3A_99, %add3A_100 : vector<128x8xf32>
    %mul3A_102 = arith.mulf %add3A_101, %slice3A_97 : vector<128x8xf32>
    %reduce_sum3A_103 = arith.constant dense<0.000000e+00> : vector<128xf32>
    %reduce_sum3A_104 = vector.multi_reduction <add>, %mul3A_102, %reduce_sum3A_103 [1] : vector<128x8xf32> to vector<128xf32>
    %broadcast_in_dim3A_105 = vector.shape_cast %reduce_sum3A_104 : vector<128xf32> to vector<128x1xf32>
    %sub3A_106 = arith.constant 1.000000e+00 : f32
    %sub3A_107 = vector.broadcast %sub3A_106 : f32 to vector<128x1xf32>
    %sub3A_108 = arith.subf %broadcast_in_dim3A_105, %sub3A_107 : vector<128x1xf32>
    %slice3A_109 = vector.extract_strided_slice %mul3A_36 {offsets = [384, 0], sizes = [128, 1], strides = [1, 1]} : vector<2048x1xf32> to vector<128x1xf32>
    %add3A_110 = arith.addf %sub3A_108, %slice3A_109 : vector<128x1xf32>
    %convert_element_type3A_111 = arith.fptosi %add3A_110 : vector<128x1xf32> to vector<128x1xi32>
    %swap3A_112 = arith.constant 384 : index
    %swap3A_113 = arith.constant 0 : index
    %swap3A_114 = vector.load %arg3[%swap3A_112, %swap3A_113] : memref<2048x1xi32, #tpu.memory_space<vmem>>, vector<128x1xi32>
    tpu.vector_store %arg3[%swap3A_112, %swap3A_113], %convert_element_type3A_111 {strides = array<i32>} : memref<2048x1xi32, #tpu.memory_space<vmem>>, vector<128x1xi32>,
    %slice3A_115 = vector.extract_strided_slice %add3A_101 {offsets = [127, 0], sizes = [1, 8], strides = [1, 1]} : vector<128x8xf32> to vector<1x8xf32>
    %slice3A_116 = vector.extract_strided_slice %convert_element_type3A_18 {offsets = [512, 0], sizes = [128, 8], strides = [1, 1]} : vector<2048x8xf32> to vector<128x8xf32>
    %dot_general3A_117 = arith.constant dense<0.000000e+00> : vector<128x8xf32>
    %dot_general3A_118 = tpu.matmul %convert_element_type3A_40, %slice3A_116, %dot_general3A_117 {dimension_numbers = #tpu.dot_dimension_numbers<[1], [0], [0], [1], [0, 0, 1, 1], [], []>, transpose_lhs_hint = false} : vector<128x128xf32>, vector<128x8xf32>, vector<128x8xf32> -> vector<128x8xf32>
    %add3A_119 = vector.broadcast %slice3A_115 : vector<1x8xf32> to vector<128x8xf32>
    %add3A_120 = arith.addf %dot_general3A_118, %add3A_119 : vector<128x8xf32>
    %mul3A_121 = arith.mulf %add3A_120, %slice3A_116 : vector<128x8xf32>
    %reduce_sum3A_122 = arith.constant dense<0.000000e+00> : vector<128xf32>
    %reduce_sum3A_123 = vector.multi_reduction <add>, %mul3A_121, %reduce_sum3A_122 [1] : vector<128x8xf32> to vector<128xf32>
    %broadcast_in_dim3A_124 = vector.shape_cast %reduce_sum3A_123 : vector<128xf32> to vector<128x1xf32>
    %sub3A_125 = arith.constant 1.000000e+00 : f32
    %sub3A_126 = vector.broadcast %sub3A_125 : f32 to vector<128x1xf32>
    %sub3A_127 = arith.subf %broadcast_in_dim3A_124, %sub3A_126 : vector<128x1xf32>
    %slice3A_128 = vector.extract_strided_slice %mul3A_36 {offsets = [512, 0], sizes = [128, 1], strides = [1, 1]} : vector<2048x1xf32> to vector<128x1xf32>
    %add3A_129 = arith.addf %sub3A_127, %slice3A_128 : vector<128x1xf32>
    %convert_element_type3A_130 = arith.fptosi %add3A_129 : vector<128x1xf32> to vector<128x1xi32>
    %swap3A_131 = arith.constant 512 : index
    %swap3A_132 = arith.constant 0 : index
    %swap3A_133 = vector.load %arg3[%swap3A_131, %swap3A_132] : memref<2048x1xi32, #tpu.memory_space<vmem>>, vector<128x1xi32>
    tpu.vector_store %arg3[%swap3A_131, %swap3A_132], %convert_element_type3A_130 {strides = array<i32>} : memref<2048x1xi32, #tpu.memory_space<vmem>>, vector<128x1xi32>,
    %slice3A_134 = vector.extract_strided_slice %add3A_120 {offsets = [127, 0], sizes = [1, 8], strides = [1, 1]} : vector<128x8xf32> to vector<1x8xf32>
    %slice3A_135 = vector.extract_strided_slice %convert_element_type3A_18 {offsets = [640, 0], sizes = [128, 8], strides = [1, 1]} : vector<2048x8xf32> to vector<128x8xf32>
    %dot_general3A_136 = arith.constant dense<0.000000e+00> : vector<128x8xf32>
    %dot_general3A_137 = tpu.matmul %convert_element_type3A_40, %slice3A_135, %dot_general3A_136 {dimension_numbers = #tpu.dot_dimension_numbers<[1], [0], [0], [1], [0, 0, 1, 1], [], []>, transpose_lhs_hint = false} : vector<128x128xf32>, vector<128x8xf32>, vector<128x8xf32> -> vector<128x8xf32>
    %add3A_138 = vector.broadcast %slice3A_134 : vector<1x8xf32> to vector<128x8xf32>
    %add3A_139 = arith.addf %dot_general3A_137, %add3A_138 : vector<128x8xf32>
    %mul3A_140 = arith.mulf %add3A_139, %slice3A_135 : vector<128x8xf32>
    %reduce_sum3A_141 = arith.constant dense<0.000000e+00> : vector<128xf32>
    %reduce_sum3A_142 = vector.multi_reduction <add>, %mul3A_140, %reduce_sum3A_141 [1] : vector<128x8xf32> to vector<128xf32>
    %broadcast_in_dim3A_143 = vector.shape_cast %reduce_sum3A_142 : vector<128xf32> to vector<128x1xf32>
    %sub3A_144 = arith.constant 1.000000e+00 : f32
    %sub3A_145 = vector.broadcast %sub3A_144 : f32 to vector<128x1xf32>
    %sub3A_146 = arith.subf %broadcast_in_dim3A_143, %sub3A_145 : vector<128x1xf32>
    %slice3A_147 = vector.extract_strided_slice %mul3A_36 {offsets = [640, 0], sizes = [128, 1], strides = [1, 1]} : vector<2048x1xf32> to vector<128x1xf32>
    %add3A_148 = arith.addf %sub3A_146, %slice3A_147 : vector<128x1xf32>
    %convert_element_type3A_149 = arith.fptosi %add3A_148 : vector<128x1xf32> to vector<128x1xi32>
    %swap3A_150 = arith.constant 640 : index
    %swap3A_151 = arith.constant 0 : index
    %swap3A_152 = vector.load %arg3[%swap3A_150, %swap3A_151] : memref<2048x1xi32, #tpu.memory_space<vmem>>, vector<128x1xi32>
    tpu.vector_store %arg3[%swap3A_150, %swap3A_151], %convert_element_type3A_149 {strides = array<i32>} : memref<2048x1xi32, #tpu.memory_space<vmem>>, vector<128x1xi32>,
    %slice3A_153 = vector.extract_strided_slice %add3A_139 {offsets = [127, 0], sizes = [1, 8], strides = [1, 1]} : vector<128x8xf32> to vector<1x8xf32>
    %slice3A_154 = vector.extract_strided_slice %convert_element_type3A_18 {offsets = [768, 0], sizes = [128, 8], strides = [1, 1]} : vector<2048x8xf32> to vector<128x8xf32>
    %dot_general3A_155 = arith.constant dense<0.000000e+00> : vector<128x8xf32>
    %dot_general3A_156 = tpu.matmul %convert_element_type3A_40, %slice3A_154, %dot_general3A_155 {dimension_numbers = #tpu.dot_dimension_numbers<[1], [0], [0], [1], [0, 0, 1, 1], [], []>, transpose_lhs_hint = false} : vector<128x128xf32>, vector<128x8xf32>, vector<128x8xf32> -> vector<128x8xf32>
    %add3A_157 = vector.broadcast %slice3A_153 : vector<1x8xf32> to vector<128x8xf32>
    %add3A_158 = arith.addf %dot_general3A_156, %add3A_157 : vector<128x8xf32>
    %mul3A_159 = arith.mulf %add3A_158, %slice3A_154 : vector<128x8xf32>
    %reduce_sum3A_160 = arith.constant dense<0.000000e+00> : vector<128xf32>
    %reduce_sum3A_161 = vector.multi_reduction <add>, %mul3A_159, %reduce_sum3A_160 [1] : vector<128x8xf32> to vector<128xf32>
    %broadcast_in_dim3A_162 = vector.shape_cast %reduce_sum3A_161 : vector<128xf32> to vector<128x1xf32>
    %sub3A_163 = arith.constant 1.000000e+00 : f32
    %sub3A_164 = vector.broadcast %sub3A_163 : f32 to vector<128x1xf32>
    %sub3A_165 = arith.subf %broadcast_in_dim3A_162, %sub3A_164 : vector<128x1xf32>
    %slice3A_166 = vector.extract_strided_slice %mul3A_36 {offsets = [768, 0], sizes = [128, 1], strides = [1, 1]} : vector<2048x1xf32> to vector<128x1xf32>
    %add3A_167 = arith.addf %sub3A_165, %slice3A_166 : vector<128x1xf32>
    %convert_element_type3A_168 = arith.fptosi %add3A_167 : vector<128x1xf32> to vector<128x1xi32>
    %swap3A_169 = arith.constant 768 : index
    %swap3A_170 = arith.constant 0 : index
    %swap3A_171 = vector.load %arg3[%swap3A_169, %swap3A_170] : memref<2048x1xi32, #tpu.memory_space<vmem>>, vector<128x1xi32>
    tpu.vector_store %arg3[%swap3A_169, %swap3A_170], %convert_element_type3A_168 {strides = array<i32>} : memref<2048x1xi32, #tpu.memory_space<vmem>>, vector<128x1xi32>,
    %slice3A_172 = vector.extract_strided_slice %add3A_158 {offsets = [127, 0], sizes = [1, 8], strides = [1, 1]} : vector<128x8xf32> to vector<1x8xf32>
    %slice3A_173 = vector.extract_strided_slice %convert_element_type3A_18 {offsets = [896, 0], sizes = [128, 8], strides = [1, 1]} : vector<2048x8xf32> to vector<128x8xf32>
    %dot_general3A_174 = arith.constant dense<0.000000e+00> : vector<128x8xf32>
    %dot_general3A_175 = tpu.matmul %convert_element_type3A_40, %slice3A_173, %dot_general3A_174 {dimension_numbers = #tpu.dot_dimension_numbers<[1], [0], [0], [1], [0, 0, 1, 1], [], []>, transpose_lhs_hint = false} : vector<128x128xf32>, vector<128x8xf32>, vector<128x8xf32> -> vector<128x8xf32>
    %add3A_176 = vector.broadcast %slice3A_172 : vector<1x8xf32> to vector<128x8xf32>
    %add3A_177 = arith.addf %dot_general3A_175, %add3A_176 : vector<128x8xf32>
    %mul3A_178 = arith.mulf %add3A_177, %slice3A_173 : vector<128x8xf32>
    %reduce_sum3A_179 = arith.constant dense<0.000000e+00> : vector<128xf32>
    %reduce_sum3A_180 = vector.multi_reduction <add>, %mul3A_178, %reduce_sum3A_179 [1] : vector<128x8xf32> to vector<128xf32>
    %broadcast_in_dim3A_181 = vector.shape_cast %reduce_sum3A_180 : vector<128xf32> to vector<128x1xf32>
    %sub3A_182 = arith.constant 1.000000e+00 : f32
    %sub3A_183 = vector.broadcast %sub3A_182 : f32 to vector<128x1xf32>
    %sub3A_184 = arith.subf %broadcast_in_dim3A_181, %sub3A_183 : vector<128x1xf32>
    %slice3A_185 = vector.extract_strided_slice %mul3A_36 {offsets = [896, 0], sizes = [128, 1], strides = [1, 1]} : vector<2048x1xf32> to vector<128x1xf32>
    %add3A_186 = arith.addf %sub3A_184, %slice3A_185 : vector<128x1xf32>
    %convert_element_type3A_187 = arith.fptosi %add3A_186 : vector<128x1xf32> to vector<128x1xi32>
    %swap3A_188 = arith.constant 896 : index
    %swap3A_189 = arith.constant 0 : index
    %swap3A_190 = vector.load %arg3[%swap3A_188, %swap3A_189] : memref<2048x1xi32, #tpu.memory_space<vmem>>, vector<128x1xi32>
    tpu.vector_store %arg3[%swap3A_188, %swap3A_189], %convert_element_type3A_187 {strides = array<i32>} : memref<2048x1xi32, #tpu.memory_space<vmem>>, vector<128x1xi32>,
    %slice3A_191 = vector.extract_strided_slice %add3A_177 {offsets = [127, 0], sizes = [1, 8], strides = [1, 1]} : vector<128x8xf32> to vector<1x8xf32>
    %slice3A_192 = vector.extract_strided_slice %convert_element_type3A_18 {offsets = [1024, 0], sizes = [128, 8], strides = [1, 1]} : vector<2048x8xf32> to vector<128x8xf32>
    %dot_general3A_193 = arith.constant dense<0.000000e+00> : vector<128x8xf32>
    %dot_general3A_194 = tpu.matmul %convert_element_type3A_40, %slice3A_192, %dot_general3A_193 {dimension_numbers = #tpu.dot_dimension_numbers<[1], [0], [0], [1], [0, 0, 1, 1], [], []>, transpose_lhs_hint = false} : vector<128x128xf32>, vector<128x8xf32>, vector<128x8xf32> -> vector<128x8xf32>
    %add3A_195 = vector.broadcast %slice3A_191 : vector<1x8xf32> to vector<128x8xf32>
    %add3A_196 = arith.addf %dot_general3A_194, %add3A_195 : vector<128x8xf32>
    %mul3A_197 = arith.mulf %add3A_196, %slice3A_192 : vector<128x8xf32>
    %reduce_sum3A_198 = arith.constant dense<0.000000e+00> : vector<128xf32>
    %reduce_sum3A_199 = vector.multi_reduction <add>, %mul3A_197, %reduce_sum3A_198 [1] : vector<128x8xf32> to vector<128xf32>
    %broadcast_in_dim3A_200 = vector.shape_cast %reduce_sum3A_199 : vector<128xf32> to vector<128x1xf32>
    %sub3A_201 = arith.constant 1.000000e+00 : f32
    %sub3A_202 = vector.broadcast %sub3A_201 : f32 to vector<128x1xf32>
    %sub3A_203 = arith.subf %broadcast_in_dim3A_200, %sub3A_202 : vector<128x1xf32>
    %slice3A_204 = vector.extract_strided_slice %mul3A_36 {offsets = [1024, 0], sizes = [128, 1], strides = [1, 1]} : vector<2048x1xf32> to vector<128x1xf32>
    %add3A_205 = arith.addf %sub3A_203, %slice3A_204 : vector<128x1xf32>
    %convert_element_type3A_206 = arith.fptosi %add3A_205 : vector<128x1xf32> to vector<128x1xi32>
    %swap3A_207 = arith.constant 1024 : index
    %swap3A_208 = arith.constant 0 : index
    %swap3A_209 = vector.load %arg3[%swap3A_207, %swap3A_208] : memref<2048x1xi32, #tpu.memory_space<vmem>>, vector<128x1xi32>
    tpu.vector_store %arg3[%swap3A_207, %swap3A_208], %convert_element_type3A_206 {strides = array<i32>} : memref<2048x1xi32, #tpu.memory_space<vmem>>, vector<128x1xi32>,
    %slice3A_210 = vector.extract_strided_slice %add3A_196 {offsets = [127, 0], sizes = [1, 8], strides = [1, 1]} : vector<128x8xf32> to vector<1x8xf32>
    %slice3A_211 = vector.extract_strided_slice %convert_element_type3A_18 {offsets = [1152, 0], sizes = [128, 8], strides = [1, 1]} : vector<2048x8xf32> to vector<128x8xf32>
    %dot_general3A_212 = arith.constant dense<0.000000e+00> : vector<128x8xf32>
    %dot_general3A_213 = tpu.matmul %convert_element_type3A_40, %slice3A_211, %dot_general3A_212 {dimension_numbers = #tpu.dot_dimension_numbers<[1], [0], [0], [1], [0, 0, 1, 1], [], []>, transpose_lhs_hint = false} : vector<128x128xf32>, vector<128x8xf32>, vector<128x8xf32> -> vector<128x8xf32>
    %add3A_214 = vector.broadcast %slice3A_210 : vector<1x8xf32> to vector<128x8xf32>
    %add3A_215 = arith.addf %dot_general3A_213, %add3A_214 : vector<128x8xf32>
    %mul3A_216 = arith.mulf %add3A_215, %slice3A_211 : vector<128x8xf32>
    %reduce_sum3A_217 = arith.constant dense<0.000000e+00> : vector<128xf32>
    %reduce_sum3A_218 = vector.multi_reduction <add>, %mul3A_216, %reduce_sum3A_217 [1] : vector<128x8xf32> to vector<128xf32>
    %broadcast_in_dim3A_219 = vector.shape_cast %reduce_sum3A_218 : vector<128xf32> to vector<128x1xf32>
    %sub3A_220 = arith.constant 1.000000e+00 : f32
    %sub3A_221 = vector.broadcast %sub3A_220 : f32 to vector<128x1xf32>
    %sub3A_222 = arith.subf %broadcast_in_dim3A_219, %sub3A_221 : vector<128x1xf32>
    %slice3A_223 = vector.extract_strided_slice %mul3A_36 {offsets = [1152, 0], sizes = [128, 1], strides = [1, 1]} : vector<2048x1xf32> to vector<128x1xf32>
    %add3A_224 = arith.addf %sub3A_222, %slice3A_223 : vector<128x1xf32>
    %convert_element_type3A_225 = arith.fptosi %add3A_224 : vector<128x1xf32> to vector<128x1xi32>
    %swap3A_226 = arith.constant 1152 : index
    %swap3A_227 = arith.constant 0 : index
    %swap3A_228 = vector.load %arg3[%swap3A_226, %swap3A_227] : memref<2048x1xi32, #tpu.memory_space<vmem>>, vector<128x1xi32>
    tpu.vector_store %arg3[%swap3A_226, %swap3A_227], %convert_element_type3A_225 {strides = array<i32>} : memref<2048x1xi32, #tpu.memory_space<vmem>>, vector<128x1xi32>,
    %slice3A_229 = vector.extract_strided_slice %add3A_215 {offsets = [127, 0], sizes = [1, 8], strides = [1, 1]} : vector<128x8xf32> to vector<1x8xf32>
    %slice3A_230 = vector.extract_strided_slice %convert_element_type3A_18 {offsets = [1280, 0], sizes = [128, 8], strides = [1, 1]} : vector<2048x8xf32> to vector<128x8xf32>
    %dot_general3A_231 = arith.constant dense<0.000000e+00> : vector<128x8xf32>
    %dot_general3A_232 = tpu.matmul %convert_element_type3A_40, %slice3A_230, %dot_general3A_231 {dimension_numbers = #tpu.dot_dimension_numbers<[1], [0], [0], [1], [0, 0, 1, 1], [], []>, transpose_lhs_hint = false} : vector<128x128xf32>, vector<128x8xf32>, vector<128x8xf32> -> vector<128x8xf32>
    %add3A_233 = vector.broadcast %slice3A_229 : vector<1x8xf32> to vector<128x8xf32>
    %add3A_234 = arith.addf %dot_general3A_232, %add3A_233 : vector<128x8xf32>
    %mul3A_235 = arith.mulf %add3A_234, %slice3A_230 : vector<128x8xf32>
    %reduce_sum3A_236 = arith.constant dense<0.000000e+00> : vector<128xf32>
    %reduce_sum3A_237 = vector.multi_reduction <add>, %mul3A_235, %reduce_sum3A_236 [1] : vector<128x8xf32> to vector<128xf32>
    %broadcast_in_dim3A_238 = vector.shape_cast %reduce_sum3A_237 : vector<128xf32> to vector<128x1xf32>
    %sub3A_239 = arith.constant 1.000000e+00 : f32
    %sub3A_240 = vector.broadcast %sub3A_239 : f32 to vector<128x1xf32>
    %sub3A_241 = arith.subf %broadcast_in_dim3A_238, %sub3A_240 : vector<128x1xf32>
    %slice3A_242 = vector.extract_strided_slice %mul3A_36 {offsets = [1280, 0], sizes = [128, 1], strides = [1, 1]} : vector<2048x1xf32> to vector<128x1xf32>
    %add3A_243 = arith.addf %sub3A_241, %slice3A_242 : vector<128x1xf32>
    %convert_element_type3A_244 = arith.fptosi %add3A_243 : vector<128x1xf32> to vector<128x1xi32>
    %swap3A_245 = arith.constant 1280 : index
    %swap3A_246 = arith.constant 0 : index
    %swap3A_247 = vector.load %arg3[%swap3A_245, %swap3A_246] : memref<2048x1xi32, #tpu.memory_space<vmem>>, vector<128x1xi32>
    tpu.vector_store %arg3[%swap3A_245, %swap3A_246], %convert_element_type3A_244 {strides = array<i32>} : memref<2048x1xi32, #tpu.memory_space<vmem>>, vector<128x1xi32>,
    %slice3A_248 = vector.extract_strided_slice %add3A_234 {offsets = [127, 0], sizes = [1, 8], strides = [1, 1]} : vector<128x8xf32> to vector<1x8xf32>
    %slice3A_249 = vector.extract_strided_slice %convert_element_type3A_18 {offsets = [1408, 0], sizes = [128, 8], strides = [1, 1]} : vector<2048x8xf32> to vector<128x8xf32>
    %dot_general3A_250 = arith.constant dense<0.000000e+00> : vector<128x8xf32>
    %dot_general3A_251 = tpu.matmul %convert_element_type3A_40, %slice3A_249, %dot_general3A_250 {dimension_numbers = #tpu.dot_dimension_numbers<[1], [0], [0], [1], [0, 0, 1, 1], [], []>, transpose_lhs_hint = false} : vector<128x128xf32>, vector<128x8xf32>, vector<128x8xf32> -> vector<128x8xf32>
    %add3A_252 = vector.broadcast %slice3A_248 : vector<1x8xf32> to vector<128x8xf32>
    %add3A_253 = arith.addf %dot_general3A_251, %add3A_252 : vector<128x8xf32>
    %mul3A_254 = arith.mulf %add3A_253, %slice3A_249 : vector<128x8xf32>
    %reduce_sum3A_255 = arith.constant dense<0.000000e+00> : vector<128xf32>
    %reduce_sum3A_256 = vector.multi_reduction <add>, %mul3A_254, %reduce_sum3A_255 [1] : vector<128x8xf32> to vector<128xf32>
    %broadcast_in_dim3A_257 = vector.shape_cast %reduce_sum3A_256 : vector<128xf32> to vector<128x1xf32>
    %sub3A_258 = arith.constant 1.000000e+00 : f32
    %sub3A_259 = vector.broadcast %sub3A_258 : f32 to vector<128x1xf32>
    %sub3A_260 = arith.subf %broadcast_in_dim3A_257, %sub3A_259 : vector<128x1xf32>
    %slice3A_261 = vector.extract_strided_slice %mul3A_36 {offsets = [1408, 0], sizes = [128, 1], strides = [1, 1]} : vector<2048x1xf32> to vector<128x1xf32>
    %add3A_262 = arith.addf %sub3A_260, %slice3A_261 : vector<128x1xf32>
    %convert_element_type3A_263 = arith.fptosi %add3A_262 : vector<128x1xf32> to vector<128x1xi32>
    %swap3A_264 = arith.constant 1408 : index
    %swap3A_265 = arith.constant 0 : index
    %swap3A_266 = vector.load %arg3[%swap3A_264, %swap3A_265] : memref<2048x1xi32, #tpu.memory_space<vmem>>, vector<128x1xi32>
    tpu.vector_store %arg3[%swap3A_264, %swap3A_265], %convert_element_type3A_263 {strides = array<i32>} : memref<2048x1xi32, #tpu.memory_space<vmem>>, vector<128x1xi32>,
    %slice3A_267 = vector.extract_strided_slice %add3A_253 {offsets = [127, 0], sizes = [1, 8], strides = [1, 1]} : vector<128x8xf32> to vector<1x8xf32>
    %slice3A_268 = vector.extract_strided_slice %convert_element_type3A_18 {offsets = [1536, 0], sizes = [128, 8], strides = [1, 1]} : vector<2048x8xf32> to vector<128x8xf32>
    %dot_general3A_269 = arith.constant dense<0.000000e+00> : vector<128x8xf32>
    %dot_general3A_270 = tpu.matmul %convert_element_type3A_40, %slice3A_268, %dot_general3A_269 {dimension_numbers = #tpu.dot_dimension_numbers<[1], [0], [0], [1], [0, 0, 1, 1], [], []>, transpose_lhs_hint = false} : vector<128x128xf32>, vector<128x8xf32>, vector<128x8xf32> -> vector<128x8xf32>
    %add3A_271 = vector.broadcast %slice3A_267 : vector<1x8xf32> to vector<128x8xf32>
    %add3A_272 = arith.addf %dot_general3A_270, %add3A_271 : vector<128x8xf32>
    %mul3A_273 = arith.mulf %add3A_272, %slice3A_268 : vector<128x8xf32>
    %reduce_sum3A_274 = arith.constant dense<0.000000e+00> : vector<128xf32>
    %reduce_sum3A_275 = vector.multi_reduction <add>, %mul3A_273, %reduce_sum3A_274 [1] : vector<128x8xf32> to vector<128xf32>
    %broadcast_in_dim3A_276 = vector.shape_cast %reduce_sum3A_275 : vector<128xf32> to vector<128x1xf32>
    %sub3A_277 = arith.constant 1.000000e+00 : f32
    %sub3A_278 = vector.broadcast %sub3A_277 : f32 to vector<128x1xf32>
    %sub3A_279 = arith.subf %broadcast_in_dim3A_276, %sub3A_278 : vector<128x1xf32>
    %slice3A_280 = vector.extract_strided_slice %mul3A_36 {offsets = [1536, 0], sizes = [128, 1], strides = [1, 1]} : vector<2048x1xf32> to vector<128x1xf32>
    %add3A_281 = arith.addf %sub3A_279, %slice3A_280 : vector<128x1xf32>
    %convert_element_type3A_282 = arith.fptosi %add3A_281 : vector<128x1xf32> to vector<128x1xi32>
    %swap3A_283 = arith.constant 1536 : index
    %swap3A_284 = arith.constant 0 : index
    %swap3A_285 = vector.load %arg3[%swap3A_283, %swap3A_284] : memref<2048x1xi32, #tpu.memory_space<vmem>>, vector<128x1xi32>
    tpu.vector_store %arg3[%swap3A_283, %swap3A_284], %convert_element_type3A_282 {strides = array<i32>} : memref<2048x1xi32, #tpu.memory_space<vmem>>, vector<128x1xi32>,
    %slice3A_286 = vector.extract_strided_slice %add3A_272 {offsets = [127, 0], sizes = [1, 8], strides = [1, 1]} : vector<128x8xf32> to vector<1x8xf32>
    %slice3A_287 = vector.extract_strided_slice %convert_element_type3A_18 {offsets = [1664, 0], sizes = [128, 8], strides = [1, 1]} : vector<2048x8xf32> to vector<128x8xf32>
    %dot_general3A_288 = arith.constant dense<0.000000e+00> : vector<128x8xf32>
    %dot_general3A_289 = tpu.matmul %convert_element_type3A_40, %slice3A_287, %dot_general3A_288 {dimension_numbers = #tpu.dot_dimension_numbers<[1], [0], [0], [1], [0, 0, 1, 1], [], []>, transpose_lhs_hint = false} : vector<128x128xf32>, vector<128x8xf32>, vector<128x8xf32> -> vector<128x8xf32>
    %add3A_290 = vector.broadcast %slice3A_286 : vector<1x8xf32> to vector<128x8xf32>
    %add3A_291 = arith.addf %dot_general3A_289, %add3A_290 : vector<128x8xf32>
    %mul3A_292 = arith.mulf %add3A_291, %slice3A_287 : vector<128x8xf32>
    %reduce_sum3A_293 = arith.constant dense<0.000000e+00> : vector<128xf32>
    %reduce_sum3A_294 = vector.multi_reduction <add>, %mul3A_292, %reduce_sum3A_293 [1] : vector<128x8xf32> to vector<128xf32>
    %broadcast_in_dim3A_295 = vector.shape_cast %reduce_sum3A_294 : vector<128xf32> to vector<128x1xf32>
    %sub3A_296 = arith.constant 1.000000e+00 : f32
    %sub3A_297 = vector.broadcast %sub3A_296 : f32 to vector<128x1xf32>
    %sub3A_298 = arith.subf %broadcast_in_dim3A_295, %sub3A_297 : vector<128x1xf32>
    %slice3A_299 = vector.extract_strided_slice %mul3A_36 {offsets = [1664, 0], sizes = [128, 1], strides = [1, 1]} : vector<2048x1xf32> to vector<128x1xf32>
    %add3A_300 = arith.addf %sub3A_298, %slice3A_299 : vector<128x1xf32>
    %convert_element_type3A_301 = arith.fptosi %add3A_300 : vector<128x1xf32> to vector<128x1xi32>
    %swap3A_302 = arith.constant 1664 : index
    %swap3A_303 = arith.constant 0 : index
    %swap3A_304 = vector.load %arg3[%swap3A_302, %swap3A_303] : memref<2048x1xi32, #tpu.memory_space<vmem>>, vector<128x1xi32>
    tpu.vector_store %arg3[%swap3A_302, %swap3A_303], %convert_element_type3A_301 {strides = array<i32>} : memref<2048x1xi32, #tpu.memory_space<vmem>>, vector<128x1xi32>,
    %slice3A_305 = vector.extract_strided_slice %add3A_291 {offsets = [127, 0], sizes = [1, 8], strides = [1, 1]} : vector<128x8xf32> to vector<1x8xf32>
    %slice3A_306 = vector.extract_strided_slice %convert_element_type3A_18 {offsets = [1792, 0], sizes = [128, 8], strides = [1, 1]} : vector<2048x8xf32> to vector<128x8xf32>
    %dot_general3A_307 = arith.constant dense<0.000000e+00> : vector<128x8xf32>
    %dot_general3A_308 = tpu.matmul %convert_element_type3A_40, %slice3A_306, %dot_general3A_307 {dimension_numbers = #tpu.dot_dimension_numbers<[1], [0], [0], [1], [0, 0, 1, 1], [], []>, transpose_lhs_hint = false} : vector<128x128xf32>, vector<128x8xf32>, vector<128x8xf32> -> vector<128x8xf32>
    %add3A_309 = vector.broadcast %slice3A_305 : vector<1x8xf32> to vector<128x8xf32>
    %add3A_310 = arith.addf %dot_general3A_308, %add3A_309 : vector<128x8xf32>
    %mul3A_311 = arith.mulf %add3A_310, %slice3A_306 : vector<128x8xf32>
    %reduce_sum3A_312 = arith.constant dense<0.000000e+00> : vector<128xf32>
    %reduce_sum3A_313 = vector.multi_reduction <add>, %mul3A_311, %reduce_sum3A_312 [1] : vector<128x8xf32> to vector<128xf32>
    %broadcast_in_dim3A_314 = vector.shape_cast %reduce_sum3A_313 : vector<128xf32> to vector<128x1xf32>
    %sub3A_315 = arith.constant 1.000000e+00 : f32
    %sub3A_316 = vector.broadcast %sub3A_315 : f32 to vector<128x1xf32>
    %sub3A_317 = arith.subf %broadcast_in_dim3A_314, %sub3A_316 : vector<128x1xf32>
    %slice3A_318 = vector.extract_strided_slice %mul3A_36 {offsets = [1792, 0], sizes = [128, 1], strides = [1, 1]} : vector<2048x1xf32> to vector<128x1xf32>
    %add3A_319 = arith.addf %sub3A_317, %slice3A_318 : vector<128x1xf32>
    %convert_element_type3A_320 = arith.fptosi %add3A_319 : vector<128x1xf32> to vector<128x1xi32>
    %swap3A_321 = arith.constant 1792 : index
    %swap3A_322 = arith.constant 0 : index
    %swap3A_323 = vector.load %arg3[%swap3A_321, %swap3A_322] : memref<2048x1xi32, #tpu.memory_space<vmem>>, vector<128x1xi32>
    tpu.vector_store %arg3[%swap3A_321, %swap3A_322], %convert_element_type3A_320 {strides = array<i32>} : memref<2048x1xi32, #tpu.memory_space<vmem>>, vector<128x1xi32>,
    %slice3A_324 = vector.extract_strided_slice %add3A_310 {offsets = [127, 0], sizes = [1, 8], strides = [1, 1]} : vector<128x8xf32> to vector<1x8xf32>
    %slice3A_325 = vector.extract_strided_slice %convert_element_type3A_18 {offsets = [1920, 0], sizes = [128, 8], strides = [1, 1]} : vector<2048x8xf32> to vector<128x8xf32>
    %dot_general3A_326 = arith.constant dense<0.000000e+00> : vector<128x8xf32>
    %dot_general3A_327 = tpu.matmul %convert_element_type3A_40, %slice3A_325, %dot_general3A_326 {dimension_numbers = #tpu.dot_dimension_numbers<[1], [0], [0], [1], [0, 0, 1, 1], [], []>, transpose_lhs_hint = false} : vector<128x128xf32>, vector<128x8xf32>, vector<128x8xf32> -> vector<128x8xf32>
    %add3A_328 = vector.broadcast %slice3A_324 : vector<1x8xf32> to vector<128x8xf32>
    %add3A_329 = arith.addf %dot_general3A_327, %add3A_328 : vector<128x8xf32>
    %mul3A_330 = arith.mulf %add3A_329, %slice3A_325 : vector<128x8xf32>
    %reduce_sum3A_331 = arith.constant dense<0.000000e+00> : vector<128xf32>
    %reduce_sum3A_332 = vector.multi_reduction <add>, %mul3A_330, %reduce_sum3A_331 [1] : vector<128x8xf32> to vector<128xf32>
    %broadcast_in_dim3A_333 = vector.shape_cast %reduce_sum3A_332 : vector<128xf32> to vector<128x1xf32>
    %sub3A_334 = arith.constant 1.000000e+00 : f32
    %sub3A_335 = vector.broadcast %sub3A_334 : f32 to vector<128x1xf32>
    %sub3A_336 = arith.subf %broadcast_in_dim3A_333, %sub3A_335 : vector<128x1xf32>
    %slice3A_337 = vector.extract_strided_slice %mul3A_36 {offsets = [1920, 0], sizes = [128, 1], strides = [1, 1]} : vector<2048x1xf32> to vector<128x1xf32>
    %add3A_338 = arith.addf %sub3A_336, %slice3A_337 : vector<128x1xf32>
    %convert_element_type3A_339 = arith.fptosi %add3A_338 : vector<128x1xf32> to vector<128x1xi32>
    %swap3A_340 = arith.constant 1920 : index
    %swap3A_341 = arith.constant 0 : index
    %swap3A_342 = vector.load %arg3[%swap3A_340, %swap3A_341] : memref<2048x1xi32, #tpu.memory_space<vmem>>, vector<128x1xi32>
    tpu.vector_store %arg3[%swap3A_340, %swap3A_341], %convert_element_type3A_339 {strides = array<i32>} : memref<2048x1xi32, #tpu.memory_space<vmem>>, vector<128x1xi32>,
    %iota3A_343 = tpu.iota {dimensions = array<i32: 0>} : vector<8x8xi32>
    %iota3A_344 = tpu.iota {dimensions = array<i32: 1>} : vector<8x8xi32>
    %eq3A_345 = arith.cmpi eq, %iota3A_343, %iota3A_344 : vector<8x8xi32>
    %convert_element_type3A_346 = arith.extui %eq3A_345 : vector<8x8xi1> to vector<8x8xi32>
    %convert_element_type3A_347 = arith.sitofp %convert_element_type3A_346 : vector<8x8xi32> to vector<8x8xf32>
    %iota3A_348 = tpu.iota {dimensions = array<i32: 1>} : vector<8x8xi32>
    %iota3A_349 = tpu.iota {dimensions = array<i32: 0>} : vector<8x8xi32>
    %le3A_350 = arith.cmpi sle, %iota3A_348, %iota3A_349 : vector<8x8xi32>
    %convert_element_type3A_351 = arith.extui %le3A_350 : vector<8x8xi1> to vector<8x8xi32>
    %convert_element_type3A_352 = arith.sitofp %convert_element_type3A_351 : vector<8x8xi32> to vector<8x8xf32>
    %broadcast_in_dim3A_353 = arith.constant 1.000000e+00 : f32
    %broadcast_in_dim3A_354 = vector.broadcast %broadcast_in_dim3A_353 : f32 to vector<8x1xf32>
    %mul3A_355 = vector.broadcast %floor3A : vector<1x8xf32> to vector<8x8xf32>
    %mul3A_356 = arith.mulf %convert_element_type3A_347, %mul3A_355 : vector<8x8xf32>
    %dot_general3A_357 = arith.constant dense<0.000000e+00> : vector<8x1xf32>
    %dot_general3A_358 = tpu.matmul %mul3A_356, %broadcast_in_dim3A_354, %dot_general3A_357 {dimension_numbers = #tpu.dot_dimension_numbers<[1], [0], [0], [1], [0, 0, 1, 1], [], []>, transpose_lhs_hint = false} : vector<8x8xf32>, vector<8x1xf32>, vector<8x1xf32> -> vector<8x1xf32>
    %mul3A_359 = vector.broadcast %broadcast_in_dim3A_20 : vector<1x8xf32> to vector<8x8xf32>
    %mul3A_360 = arith.mulf %convert_element_type3A_347, %mul3A_359 : vector<8x8xf32>
    %dot_general3A_361 = arith.constant dense<0.000000e+00> : vector<8x1xf32>
    %dot_general3A_362 = tpu.matmul %mul3A_360, %broadcast_in_dim3A_354, %dot_general3A_361 {dimension_numbers = #tpu.dot_dimension_numbers<[1], [0], [0], [1], [0, 0, 1, 1], [], []>, transpose_lhs_hint = false} : vector<8x8xf32>, vector<8x1xf32>, vector<8x1xf32> -> vector<8x1xf32>
    %dot_general3A_363 = arith.constant dense<0.000000e+00> : vector<8x1xf32>
    %dot_general3A_364 = tpu.matmul %convert_element_type3A_352, %dot_general3A_358, %dot_general3A_363 {dimension_numbers = #tpu.dot_dimension_numbers<[1], [0], [0], [1], [0, 0, 1, 1], [], []>, transpose_lhs_hint = false} : vector<8x8xf32>, vector<8x1xf32>, vector<8x1xf32> -> vector<8x1xf32>
    %iota3A_365 = tpu.iota {dimensions = array<i32: 0>} : vector<8x1xi32>
    %convert_element_type3A_366 = arith.sitofp %iota3A_365 : vector<8x1xi32> to vector<8x1xf32>
    %gt3A = arith.constant 0.000000e+00 : f32
    %gt3A_367 = vector.broadcast %gt3A : f32 to vector<8x1xf32>
    %gt3A_368 = arith.cmpf ogt, %dot_general3A_362, %gt3A_367 : vector<8x1xf32>
    %jit3A_369 = arith.constant 0.000000e+00 : f32
    %broadcast_in_dim3A_370 = vector.broadcast %jit3A_369 : f32 to vector<8x1xf32>
    %select_n3A_371 = arith.select %gt3A_368, %convert_element_type3A_366, %broadcast_in_dim3A_370 : vector<8x1xi1>, vector<8x1xf32>
    %reduce_max3A_372 = arith.constant dense<0xFF800000> : vector<1xf32>
    %reduce_max3A_373 = vector.multi_reduction <maximumf>, %select_n3A_371, %reduce_max3A_372 [0] : vector<8x1xf32> to vector<1xf32>
    %broadcast_in_dim3A_374 = vector.shape_cast %reduce_max3A_373 : vector<1xf32> to vector<1x1xf32>
    %reduce_max3A_375 = arith.constant dense<0xFF800000> : vector<1xf32>
    %reduce_max3A_376 = vector.multi_reduction <maximumf>, %dot_general3A_364, %reduce_max3A_375 [0] : vector<8x1xf32> to vector<1xf32>
    %broadcast_in_dim3A_377 = vector.shape_cast %reduce_max3A_376 : vector<1xf32> to vector<1x1xf32>
    %iota3A_378 = tpu.iota {dimensions = array<i32: 1>} : vector<8x16xi32>
    %convert_element_type3A_379 = arith.sitofp %iota3A_378 : vector<8x16xi32> to vector<8x16xf32>
    %le3A_380 = vector.broadcast %dot_general3A_364 : vector<8x1xf32> to vector<8x16xf32>
    %le3A_381 = arith.cmpf ole, %le3A_380, %convert_element_type3A_379 : vector<8x16xf32>
    %convert_element_type3A_382 = arith.extui %le3A_381 : vector<8x16xi1> to vector<8x16xi32>
    %convert_element_type3A_383 = arith.sitofp %convert_element_type3A_382 : vector<8x16xi32> to vector<8x16xf32>
    %reduce_sum3A_384 = arith.constant dense<0.000000e+00> : vector<16xf32>
    %reduce_sum3A_385 = vector.multi_reduction <add>, %convert_element_type3A_383, %reduce_sum3A_384 [0] : vector<8x16xf32> to vector<16xf32>
    %broadcast_in_dim3A_386 = vector.shape_cast %reduce_sum3A_385 : vector<16xf32> to vector<1x16xf32>
    %min3A = vector.broadcast %broadcast_in_dim3A_374 : vector<1x1xf32> to vector<1x16xf32>
    %min3A_387 = arith.minimumf %broadcast_in_dim3A_386, %min3A : vector<1x16xf32>
    %broadcast_in_dim3A_388 = arith.constant -1.000000e+00 : f32
    %broadcast_in_dim3A_389 = vector.broadcast %broadcast_in_dim3A_388 : f32 to vector<1x1xf32>
    %slice3A_390 = vector.extract_strided_slice %min3A_387 {offsets = [0, 0], sizes = [1, 15], strides = [1, 1]} : vector<1x16xf32> to vector<1x15xf32>
    %concatenate3A = tpu.concatenate %broadcast_in_dim3A_389, %slice3A_390 in 1 : vector<1x1xf32>, vector<1x15xf32> -> vector<1x16xf32>
    %ne3A = arith.cmpf one, %min3A_387, %concatenate3A : vector<1x16xf32>
    %convert_element_type3A_391 = arith.extui %ne3A : vector<1x16xi1> to vector<1x16xi32>
    %convert_element_type3A_392 = arith.sitofp %convert_element_type3A_391 : vector<1x16xi32> to vector<1x16xf32>
    %iota3A_393 = tpu.iota {dimensions = array<i32: 0>} : vector<16x16xi32>
    %iota3A_394 = tpu.iota {dimensions = array<i32: 1>} : vector<16x16xi32>
    %le3A_395 = arith.cmpi sle, %iota3A_393, %iota3A_394 : vector<16x16xi32>
    %convert_element_type3A_396 = arith.extui %le3A_395 : vector<16x16xi1> to vector<16x16xi32>
    %convert_element_type3A_397 = arith.sitofp %convert_element_type3A_396 : vector<16x16xi32> to vector<16x16xf32>
    %dot_general3A_398 = arith.constant dense<0.000000e+00> : vector<1x16xf32>
    %dot_general3A_399 = tpu.matmul %convert_element_type3A_392, %convert_element_type3A_397, %dot_general3A_398 {dimension_numbers = #tpu.dot_dimension_numbers<[1], [0], [0], [1], [0, 0, 1, 1], [], []>, transpose_lhs_hint = false} : vector<1x16xf32>, vector<16x16xf32>, vector<1x16xf32> -> vector<1x16xf32>
    %mul3A_400 = arith.constant 0.333333343 : f32
    %mul3A_401 = vector.broadcast %mul3A_400 : f32 to vector<1x16xf32>
    %mul3A_402 = arith.mulf %dot_general3A_399, %mul3A_401 : vector<1x16xf32>
    %floor3A_403 = math.floor %mul3A_402 : vector<1x16xf32>
    %mul3A_404 = arith.constant 3.000000e+00 : f32
    %mul3A_405 = vector.broadcast %mul3A_404 : f32 to vector<1x16xf32>
    %mul3A_406 = arith.mulf %mul3A_405, %floor3A_403 : vector<1x16xf32>
    %sub3A_407 = arith.subf %dot_general3A_399, %mul3A_406 : vector<1x16xf32>
    %broadcast_in_dim3A_408 = vector.shape_cast %broadcast_in_dim3A_377 : vector<1x1xf32> to vector<1x1xf32>
    %broadcast_in_dim3A_409 = vector.broadcast %broadcast_in_dim3A_408 : vector<1x1xf32> to vector<1x8xf32>
    %concatenate3A_410 = tpu.concatenate %min3A_387, %sub3A_407, %broadcast_in_dim3A_409 in 1 : vector<1x16xf32>, vector<1x16xf32>, vector<1x8xf32> -> vector<1x40xf32>
    %convert_element_type3A_411 = arith.fptosi %concatenate3A_410 : vector<1x40xf32> to vector<1x40xi32>
    %swap3A_412 = arith.constant 0 : index
    %swap3A_413 = arith.constant 0 : index
    %swap3A_414 = vector.load %arg4[%swap3A_412, %swap3A_413] : memref<1x40xi32, #tpu.memory_space<vmem>>, vector<1x40xi32>
    tpu.vector_store %arg4[%swap3A_412, %swap3A_413], %convert_element_type3A_411 {strides = array<i32>} : memref<1x40xi32, #tpu.memory_space<vmem>>, vector<1x40xi32>,
    return
  }
}

module attributes {stable_mosaic.version = 14 : i64} {
  func.func @_mlp_body(%arg0: i32, %arg1: memref<1x40xi32, #tpu.memory_space<smem>>, %arg2: memref<256x768xf32, #tpu.memory_space<vmem>>, %arg3: memref<8x768x1024xf32, #tpu.memory_space<any>>, %arg4: memref<1x1x1024xf32, #tpu.memory_space<vmem>>, %arg5: memref<8x1024x768xf32, #tpu.memory_space<any>>, %arg6: memref<1x1x768xf32, #tpu.memory_space<vmem>>, %arg7: memref<256x768xf32, #tpu.memory_space<vmem>>, %arg8: memref<3x768x1024xf32, #tpu.memory_space<vmem>>, %arg9: memref<3x1024x768xf32, #tpu.memory_space<vmem>>, %arg10: memref<3x!tpu.dma_semaphore, #tpu.memory_space<semaphore_mem>>, %arg11: memref<3x!tpu.dma_semaphore, #tpu.memory_space<semaphore_mem>>) attributes {dimension_semantics = [#tpu.dimension_semantics<arbitrary>], iteration_bounds = array<i64: 16>, scalar_prefetch = 1 : i64, scratch_operands = 4 : i64, tpu.core_type = #tpu.core_type<tc>, window_params = [{transform_indices = @transform_0, window_bounds = array<i64: 256, 768>}, {}, {transform_indices = @transform_2, window_bounds = array<i64: 1, 1, 1024>}, {}, {transform_indices = @transform_4, window_bounds = array<i64: 1, 1, 768>}, {transform_indices = @transform_5, window_bounds = array<i64: 256, 768>}]} {
    %get3A = arith.constant 0 : index
    %get3A_0 = arith.constant 32 : index
    %get3A_1 = memref.load %arg1[%get3A, %get3A_0] : memref<1x40xi32, #tpu.memory_space<smem>>
    %lt3A = arith.cmpi slt, %arg0, %get3A_1 : i32
    %convert_element_type3A = arith.extui %lt3A : i1 to i32
    %cond3A = arith.constant 0 : i32
    %cond3A_2 = arith.cmpi ne, %convert_element_type3A, %cond3A : i32
    scf.if %cond3A_2 {
      %get3A_3 = arith.constant 0 : index
      %get3A_4 = arith.index_cast %arg0 : i32 to index
      %get3A_5 = memref.load %arg1[%get3A_3, %get3A_4] : memref<1x40xi32, #tpu.memory_space<smem>>
      %add3A = arith.constant 16 : i32
      %add3A_6 = arith.addi %add3A, %arg0 : i32
      %get3A_7 = arith.constant 0 : index
      %get3A_8 = arith.index_cast %add3A_6 : i32 to index
      %get3A_9 = memref.load %arg1[%get3A_7, %get3A_8] : memref<1x40xi32, #tpu.memory_space<smem>>
      %add3A_10 = arith.constant 1 : i32
      %add3A_11 = arith.addi %arg0, %add3A_10 : i32
      %min3A = arith.constant 15 : i32
      %min3A_12 = arith.minsi %add3A_11, %min3A : i32
      %add3A_13 = arith.constant 2 : i32
      %add3A_14 = arith.addi %arg0, %add3A_13 : i32
      %min3A_15 = arith.constant 15 : i32
      %min3A_16 = arith.minsi %add3A_14, %min3A_15 : i32
      %get3A_17 = arith.constant 0 : index
      %get3A_18 = arith.index_cast %min3A_12 : i32 to index
      %get3A_19 = memref.load %arg1[%get3A_17, %get3A_18] : memref<1x40xi32, #tpu.memory_space<smem>>
      %add3A_20 = arith.constant 16 : i32
      %add3A_21 = arith.addi %add3A_20, %min3A_12 : i32
      %get3A_22 = arith.constant 0 : index
      %get3A_23 = arith.index_cast %add3A_21 : i32 to index
      %get3A_24 = memref.load %arg1[%get3A_22, %get3A_23] : memref<1x40xi32, #tpu.memory_space<smem>>
      %get3A_25 = arith.constant 0 : index
      %get3A_26 = arith.index_cast %min3A_16 : i32 to index
      %get3A_27 = memref.load %arg1[%get3A_25, %get3A_26] : memref<1x40xi32, #tpu.memory_space<smem>>
      %add3A_28 = arith.constant 16 : i32
      %add3A_29 = arith.addi %add3A_28, %min3A_16 : i32
      %get3A_30 = arith.constant 0 : index
      %get3A_31 = arith.index_cast %add3A_29 : i32 to index
      %get3A_32 = memref.load %arg1[%get3A_30, %get3A_31] : memref<1x40xi32, #tpu.memory_space<smem>>
      %sub3A = arith.constant 1 : i32
      %sub3A_33 = arith.subi %arg0, %sub3A : i32
      %max3A = arith.constant 0 : i32
      %max3A_34 = arith.maxsi %sub3A_33, %max3A : i32
      %get3A_35 = arith.constant 0 : index
      %get3A_36 = arith.index_cast %max3A_34 : i32 to index
      %get3A_37 = memref.load %arg1[%get3A_35, %get3A_36] : memref<1x40xi32, #tpu.memory_space<smem>>
      %eq3A = arith.constant 0 : i32
      %eq3A_38 = arith.cmpi eq, %arg0, %eq3A : i32
      %convert_element_type3A_39 = arith.extui %eq3A_38 : i1 to i32
      %cond3A_40 = arith.constant 0 : i32
      %cond3A_41 = arith.cmpi ne, %convert_element_type3A_39, %cond3A_40 : i32
      scf.if %cond3A_41 {
        %dma_start3A = tpu.memref_slice %arg10[%get3A_9] : memref<3x!tpu.dma_semaphore, #tpu.memory_space<semaphore_mem>> -> memref<1x!tpu.dma_semaphore, #tpu.memory_space<semaphore_mem>>
        %dma_start3A_92 = tpu.memref_squeeze %dma_start3A : memref<1x!tpu.dma_semaphore, #tpu.memory_space<semaphore_mem>> -> memref<!tpu.dma_semaphore, #tpu.memory_space<semaphore_mem>>
        %dma_start3A_93 = arith.constant 0 : i32
        %dma_start3A_94 = arith.constant 0 : i32
        %dma_start3A_95 = tpu.memref_slice %arg8[%get3A_9, %dma_start3A_93, %dma_start3A_94] : memref<3x768x1024xf32, #tpu.memory_space<vmem>> -> memref<1x768x1024xf32, #tpu.memory_space<vmem>>
        %dma_start3A_96 = tpu.memref_squeeze %dma_start3A_95 : memref<1x768x1024xf32, #tpu.memory_space<vmem>> -> memref<768x1024xf32, #tpu.memory_space<vmem>>
        %dma_start3A_97 = arith.constant 0 : i32
        %dma_start3A_98 = arith.constant 0 : i32
        %dma_start3A_99 = tpu.memref_slice %arg3[%get3A_5, %dma_start3A_97, %dma_start3A_98] : memref<8x768x1024xf32, #tpu.memory_space<any>> -> memref<1x768x1024xf32, #tpu.memory_space<any>>
        %dma_start3A_100 = tpu.memref_squeeze %dma_start3A_99 : memref<1x768x1024xf32, #tpu.memory_space<any>> -> memref<768x1024xf32, #tpu.memory_space<any>>
        tpu.enqueue_dma source(%dma_start3A_100 : memref<768x1024xf32, #tpu.memory_space<any>>) target(%dma_start3A_96 : memref<768x1024xf32, #tpu.memory_space<vmem>>) target_semaphore(%dma_start3A_92 : memref<!tpu.dma_semaphore, #tpu.memory_space<semaphore_mem>>)
        %dma_start3A_101 = tpu.memref_slice %arg11[%get3A_9] : memref<3x!tpu.dma_semaphore, #tpu.memory_space<semaphore_mem>> -> memref<1x!tpu.dma_semaphore, #tpu.memory_space<semaphore_mem>>
        %dma_start3A_102 = tpu.memref_squeeze %dma_start3A_101 : memref<1x!tpu.dma_semaphore, #tpu.memory_space<semaphore_mem>> -> memref<!tpu.dma_semaphore, #tpu.memory_space<semaphore_mem>>
        %dma_start3A_103 = arith.constant 0 : i32
        %dma_start3A_104 = arith.constant 0 : i32
        %dma_start3A_105 = tpu.memref_slice %arg9[%get3A_9, %dma_start3A_103, %dma_start3A_104] : memref<3x1024x768xf32, #tpu.memory_space<vmem>> -> memref<1x1024x768xf32, #tpu.memory_space<vmem>>
        %dma_start3A_106 = tpu.memref_squeeze %dma_start3A_105 : memref<1x1024x768xf32, #tpu.memory_space<vmem>> -> memref<1024x768xf32, #tpu.memory_space<vmem>>
        %dma_start3A_107 = arith.constant 0 : i32
        %dma_start3A_108 = arith.constant 0 : i32
        %dma_start3A_109 = tpu.memref_slice %arg5[%get3A_5, %dma_start3A_107, %dma_start3A_108] : memref<8x1024x768xf32, #tpu.memory_space<any>> -> memref<1x1024x768xf32, #tpu.memory_space<any>>
        %dma_start3A_110 = tpu.memref_squeeze %dma_start3A_109 : memref<1x1024x768xf32, #tpu.memory_space<any>> -> memref<1024x768xf32, #tpu.memory_space<any>>
        tpu.enqueue_dma source(%dma_start3A_110 : memref<1024x768xf32, #tpu.memory_space<any>>) target(%dma_start3A_106 : memref<1024x768xf32, #tpu.memory_space<vmem>>) target_semaphore(%dma_start3A_102 : memref<!tpu.dma_semaphore, #tpu.memory_space<semaphore_mem>>)
        %ne3A_111 = arith.cmpi ne, %get3A_19, %get3A_5 : i32
        %convert_element_type3A_112 = arith.extui %ne3A_111 : i1 to i32
        %cond3A_113 = arith.constant 0 : i32
        %cond3A_114 = arith.cmpi ne, %convert_element_type3A_112, %cond3A_113 : i32
        scf.if %cond3A_114 {
          %dma_start3A_115 = tpu.memref_slice %arg10[%get3A_24] : memref<3x!tpu.dma_semaphore, #tpu.memory_space<semaphore_mem>> -> memref<1x!tpu.dma_semaphore, #tpu.memory_space<semaphore_mem>>
          %dma_start3A_116 = tpu.memref_squeeze %dma_start3A_115 : memref<1x!tpu.dma_semaphore, #tpu.memory_space<semaphore_mem>> -> memref<!tpu.dma_semaphore, #tpu.memory_space<semaphore_mem>>
          %dma_start3A_117 = arith.constant 0 : i32
          %dma_start3A_118 = arith.constant 0 : i32
          %dma_start3A_119 = tpu.memref_slice %arg8[%get3A_24, %dma_start3A_117, %dma_start3A_118] : memref<3x768x1024xf32, #tpu.memory_space<vmem>> -> memref<1x768x1024xf32, #tpu.memory_space<vmem>>
          %dma_start3A_120 = tpu.memref_squeeze %dma_start3A_119 : memref<1x768x1024xf32, #tpu.memory_space<vmem>> -> memref<768x1024xf32, #tpu.memory_space<vmem>>
          %dma_start3A_121 = arith.constant 0 : i32
          %dma_start3A_122 = arith.constant 0 : i32
          %dma_start3A_123 = tpu.memref_slice %arg3[%get3A_19, %dma_start3A_121, %dma_start3A_122] : memref<8x768x1024xf32, #tpu.memory_space<any>> -> memref<1x768x1024xf32, #tpu.memory_space<any>>
          %dma_start3A_124 = tpu.memref_squeeze %dma_start3A_123 : memref<1x768x1024xf32, #tpu.memory_space<any>> -> memref<768x1024xf32, #tpu.memory_space<any>>
          tpu.enqueue_dma source(%dma_start3A_124 : memref<768x1024xf32, #tpu.memory_space<any>>) target(%dma_start3A_120 : memref<768x1024xf32, #tpu.memory_space<vmem>>) target_semaphore(%dma_start3A_116 : memref<!tpu.dma_semaphore, #tpu.memory_space<semaphore_mem>>)
          %dma_start3A_125 = tpu.memref_slice %arg11[%get3A_24] : memref<3x!tpu.dma_semaphore, #tpu.memory_space<semaphore_mem>> -> memref<1x!tpu.dma_semaphore, #tpu.memory_space<semaphore_mem>>
          %dma_start3A_126 = tpu.memref_squeeze %dma_start3A_125 : memref<1x!tpu.dma_semaphore, #tpu.memory_space<semaphore_mem>> -> memref<!tpu.dma_semaphore, #tpu.memory_space<semaphore_mem>>
          %dma_start3A_127 = arith.constant 0 : i32
          %dma_start3A_128 = arith.constant 0 : i32
          %dma_start3A_129 = tpu.memref_slice %arg9[%get3A_24, %dma_start3A_127, %dma_start3A_128] : memref<3x1024x768xf32, #tpu.memory_space<vmem>> -> memref<1x1024x768xf32, #tpu.memory_space<vmem>>
          %dma_start3A_130 = tpu.memref_squeeze %dma_start3A_129 : memref<1x1024x768xf32, #tpu.memory_space<vmem>> -> memref<1024x768xf32, #tpu.memory_space<vmem>>
          %dma_start3A_131 = arith.constant 0 : i32
          %dma_start3A_132 = arith.constant 0 : i32
          %dma_start3A_133 = tpu.memref_slice %arg5[%get3A_19, %dma_start3A_131, %dma_start3A_132] : memref<8x1024x768xf32, #tpu.memory_space<any>> -> memref<1x1024x768xf32, #tpu.memory_space<any>>
          %dma_start3A_134 = tpu.memref_squeeze %dma_start3A_133 : memref<1x1024x768xf32, #tpu.memory_space<any>> -> memref<1024x768xf32, #tpu.memory_space<any>>
          tpu.enqueue_dma source(%dma_start3A_134 : memref<1024x768xf32, #tpu.memory_space<any>>) target(%dma_start3A_130 : memref<1024x768xf32, #tpu.memory_space<vmem>>) target_semaphore(%dma_start3A_126 : memref<!tpu.dma_semaphore, #tpu.memory_space<semaphore_mem>>)
        } else {
        }
      } else {
      }
      %eq3A_42 = arith.constant 0 : i32
      %eq3A_43 = arith.cmpi eq, %arg0, %eq3A_42 : i32
      %ne3A = arith.cmpi ne, %get3A_5, %get3A_37 : i32
      %or3A = arith.ori %eq3A_43, %ne3A : i1
      %convert_element_type3A_44 = arith.extui %or3A : i1 to i32
      %cond3A_45 = arith.constant 0 : i32
      %cond3A_46 = arith.cmpi ne, %convert_element_type3A_44, %cond3A_45 : i32
      scf.if %cond3A_46 {
        %dma_wait3A = arith.constant 0 : i32
        %dma_wait3A_92 = tpu.memref_slice %arg10[%get3A_9] : memref<3x!tpu.dma_semaphore, #tpu.memory_space<semaphore_mem>> -> memref<1x!tpu.dma_semaphore, #tpu.memory_space<semaphore_mem>>
        %dma_wait3A_93 = tpu.memref_squeeze %dma_wait3A_92 : memref<1x!tpu.dma_semaphore, #tpu.memory_space<semaphore_mem>> -> memref<!tpu.dma_semaphore, #tpu.memory_space<semaphore_mem>>
        %dma_wait3A_94 = arith.constant 0 : i32
        %dma_wait3A_95 = arith.constant 0 : i32
        %dma_wait3A_96 = tpu.memref_slice %arg8[%get3A_9, %dma_wait3A_94, %dma_wait3A_95] : memref<3x768x1024xf32, #tpu.memory_space<vmem>> -> memref<1x768x1024xf32, #tpu.memory_space<vmem>>
        %dma_wait3A_97 = tpu.memref_squeeze %dma_wait3A_96 : memref<1x768x1024xf32, #tpu.memory_space<vmem>> -> memref<768x1024xf32, #tpu.memory_space<vmem>>
        %dma_wait3A_98 = arith.constant 0 : i32
        %dma_wait3A_99 = arith.constant 0 : i32
        %dma_wait3A_100 = tpu.memref_slice %arg3[%dma_wait3A, %dma_wait3A_98, %dma_wait3A_99] : memref<8x768x1024xf32, #tpu.memory_space<any>> -> memref<1x768x1024xf32, #tpu.memory_space<any>>
        %dma_wait3A_101 = tpu.memref_squeeze %dma_wait3A_100 : memref<1x768x1024xf32, #tpu.memory_space<any>> -> memref<768x1024xf32, #tpu.memory_space<any>>
        tpu.wait_dma2 semaphore(%dma_wait3A_93 : memref<!tpu.dma_semaphore, #tpu.memory_space<semaphore_mem>>) src(%dma_wait3A_101 : memref<768x1024xf32, #tpu.memory_space<any>>) dst(%dma_wait3A_97 : memref<768x1024xf32, #tpu.memory_space<vmem>>)
        %dma_wait3A_102 = arith.constant 0 : i32
        %dma_wait3A_103 = tpu.memref_slice %arg11[%get3A_9] : memref<3x!tpu.dma_semaphore, #tpu.memory_space<semaphore_mem>> -> memref<1x!tpu.dma_semaphore, #tpu.memory_space<semaphore_mem>>
        %dma_wait3A_104 = tpu.memref_squeeze %dma_wait3A_103 : memref<1x!tpu.dma_semaphore, #tpu.memory_space<semaphore_mem>> -> memref<!tpu.dma_semaphore, #tpu.memory_space<semaphore_mem>>
        %dma_wait3A_105 = arith.constant 0 : i32
        %dma_wait3A_106 = arith.constant 0 : i32
        %dma_wait3A_107 = tpu.memref_slice %arg9[%get3A_9, %dma_wait3A_105, %dma_wait3A_106] : memref<3x1024x768xf32, #tpu.memory_space<vmem>> -> memref<1x1024x768xf32, #tpu.memory_space<vmem>>
        %dma_wait3A_108 = tpu.memref_squeeze %dma_wait3A_107 : memref<1x1024x768xf32, #tpu.memory_space<vmem>> -> memref<1024x768xf32, #tpu.memory_space<vmem>>
        %dma_wait3A_109 = arith.constant 0 : i32
        %dma_wait3A_110 = arith.constant 0 : i32
        %dma_wait3A_111 = tpu.memref_slice %arg5[%dma_wait3A_102, %dma_wait3A_109, %dma_wait3A_110] : memref<8x1024x768xf32, #tpu.memory_space<any>> -> memref<1x1024x768xf32, #tpu.memory_space<any>>
        %dma_wait3A_112 = tpu.memref_squeeze %dma_wait3A_111 : memref<1x1024x768xf32, #tpu.memory_space<any>> -> memref<1024x768xf32, #tpu.memory_space<any>>
        tpu.wait_dma2 semaphore(%dma_wait3A_104 : memref<!tpu.dma_semaphore, #tpu.memory_space<semaphore_mem>>) src(%dma_wait3A_112 : memref<1024x768xf32, #tpu.memory_space<any>>) dst(%dma_wait3A_108 : memref<1024x768xf32, #tpu.memory_space<vmem>>)
      } else {
      }
      %ne3A_47 = arith.cmpi ne, %get3A_27, %get3A_19 : i32
      %convert_element_type3A_48 = arith.extui %ne3A_47 : i1 to i32
      %cond3A_49 = arith.constant 0 : i32
      %cond3A_50 = arith.cmpi ne, %convert_element_type3A_48, %cond3A_49 : i32
      scf.if %cond3A_50 {
        %dma_start3A = tpu.memref_slice %arg10[%get3A_32] : memref<3x!tpu.dma_semaphore, #tpu.memory_space<semaphore_mem>> -> memref<1x!tpu.dma_semaphore, #tpu.memory_space<semaphore_mem>>
        %dma_start3A_92 = tpu.memref_squeeze %dma_start3A : memref<1x!tpu.dma_semaphore, #tpu.memory_space<semaphore_mem>> -> memref<!tpu.dma_semaphore, #tpu.memory_space<semaphore_mem>>
        %dma_start3A_93 = arith.constant 0 : i32
        %dma_start3A_94 = arith.constant 0 : i32
        %dma_start3A_95 = tpu.memref_slice %arg8[%get3A_32, %dma_start3A_93, %dma_start3A_94] : memref<3x768x1024xf32, #tpu.memory_space<vmem>> -> memref<1x768x1024xf32, #tpu.memory_space<vmem>>
        %dma_start3A_96 = tpu.memref_squeeze %dma_start3A_95 : memref<1x768x1024xf32, #tpu.memory_space<vmem>> -> memref<768x1024xf32, #tpu.memory_space<vmem>>
        %dma_start3A_97 = arith.constant 0 : i32
        %dma_start3A_98 = arith.constant 0 : i32
        %dma_start3A_99 = tpu.memref_slice %arg3[%get3A_27, %dma_start3A_97, %dma_start3A_98] : memref<8x768x1024xf32, #tpu.memory_space<any>> -> memref<1x768x1024xf32, #tpu.memory_space<any>>
        %dma_start3A_100 = tpu.memref_squeeze %dma_start3A_99 : memref<1x768x1024xf32, #tpu.memory_space<any>> -> memref<768x1024xf32, #tpu.memory_space<any>>
        tpu.enqueue_dma source(%dma_start3A_100 : memref<768x1024xf32, #tpu.memory_space<any>>) target(%dma_start3A_96 : memref<768x1024xf32, #tpu.memory_space<vmem>>) target_semaphore(%dma_start3A_92 : memref<!tpu.dma_semaphore, #tpu.memory_space<semaphore_mem>>)
        %dma_start3A_101 = tpu.memref_slice %arg11[%get3A_32] : memref<3x!tpu.dma_semaphore, #tpu.memory_space<semaphore_mem>> -> memref<1x!tpu.dma_semaphore, #tpu.memory_space<semaphore_mem>>
        %dma_start3A_102 = tpu.memref_squeeze %dma_start3A_101 : memref<1x!tpu.dma_semaphore, #tpu.memory_space<semaphore_mem>> -> memref<!tpu.dma_semaphore, #tpu.memory_space<semaphore_mem>>
        %dma_start3A_103 = arith.constant 0 : i32
        %dma_start3A_104 = arith.constant 0 : i32
        %dma_start3A_105 = tpu.memref_slice %arg9[%get3A_32, %dma_start3A_103, %dma_start3A_104] : memref<3x1024x768xf32, #tpu.memory_space<vmem>> -> memref<1x1024x768xf32, #tpu.memory_space<vmem>>
        %dma_start3A_106 = tpu.memref_squeeze %dma_start3A_105 : memref<1x1024x768xf32, #tpu.memory_space<vmem>> -> memref<1024x768xf32, #tpu.memory_space<vmem>>
        %dma_start3A_107 = arith.constant 0 : i32
        %dma_start3A_108 = arith.constant 0 : i32
        %dma_start3A_109 = tpu.memref_slice %arg5[%get3A_27, %dma_start3A_107, %dma_start3A_108] : memref<8x1024x768xf32, #tpu.memory_space<any>> -> memref<1x1024x768xf32, #tpu.memory_space<any>>
        %dma_start3A_110 = tpu.memref_squeeze %dma_start3A_109 : memref<1x1024x768xf32, #tpu.memory_space<any>> -> memref<1024x768xf32, #tpu.memory_space<any>>
        tpu.enqueue_dma source(%dma_start3A_110 : memref<1024x768xf32, #tpu.memory_space<any>>) target(%dma_start3A_106 : memref<1024x768xf32, #tpu.memory_space<vmem>>) target_semaphore(%dma_start3A_102 : memref<!tpu.dma_semaphore, #tpu.memory_space<semaphore_mem>>)
      } else {
      }
      %get3A_51 = arith.constant 0 : index
      %get3A_52 = arith.constant 0 : index
      %get3A_53 = vector.load %arg2[%get3A_51, %get3A_52] : memref<256x768xf32, #tpu.memory_space<vmem>>, vector<256x768xf32>
      %get3A_54 = arith.index_cast %get3A_9 : i32 to index
      %get3A_55 = arith.constant 0 : index
      %get3A_56 = arith.constant 0 : index
      %get3A_57 = vector.load %arg8[%get3A_54, %get3A_55, %get3A_56] : memref<3x768x1024xf32, #tpu.memory_space<vmem>>, vector<1x768x1024xf32>
      %get3A_58 = vector.shape_cast %get3A_57 : vector<1x768x1024xf32> to vector<768x1024xf32>
      %dot_general3A = arith.constant dense<0.000000e+00> : vector<256x1024xf32>
      %dot_general3A_59 = tpu.matmul %get3A_53, %get3A_58, %dot_general3A {dimension_numbers = #tpu.dot_dimension_numbers<[1], [0], [0], [1], [0, 0, 1, 1], [], []>, transpose_lhs_hint = false} : vector<256x768xf32>, vector<768x1024xf32>, vector<256x1024xf32> -> vector<256x1024xf32>
      %get3A_60 = arith.constant 0 : index
      %get3A_61 = arith.constant 0 : index
      %get3A_62 = arith.constant 0 : index
      %get3A_63 = vector.load %arg4[%get3A_60, %get3A_61, %get3A_62] : memref<1x1x1024xf32, #tpu.memory_space<vmem>>, vector<1x1x1024xf32>
      %get3A_64 = vector.shape_cast %get3A_63 : vector<1x1x1024xf32> to vector<1x1024xf32>
      %add3A_65 = vector.broadcast %get3A_64 : vector<1x1024xf32> to vector<256x1024xf32>
      %add3A_66 = arith.addf %dot_general3A_59, %add3A_65 : vector<256x1024xf32>
      %mul3A = arith.constant 5.000000e-01 : f32
      %mul3A_67 = vector.broadcast %mul3A : f32 to vector<256x1024xf32>
      %mul3A_68 = arith.mulf %mul3A_67, %add3A_66 : vector<256x1024xf32>
      %mul3A_69 = arith.constant 0.707106769 : f32
      %mul3A_70 = vector.broadcast %mul3A_69 : f32 to vector<256x1024xf32>
      %mul3A_71 = arith.mulf %add3A_66, %mul3A_70 : vector<256x1024xf32>
      %erf3A = math.erf %mul3A_71 : vector<256x1024xf32>
      %add3A_72 = arith.constant 1.000000e+00 : f32
      %add3A_73 = vector.broadcast %add3A_72 : f32 to vector<256x1024xf32>
      %add3A_74 = arith.addf %add3A_73, %erf3A : vector<256x1024xf32>
      %mul3A_75 = arith.mulf %mul3A_68, %add3A_74 : vector<256x1024xf32>
      %get3A_76 = arith.index_cast %get3A_9 : i32 to index
      %get3A_77 = arith.constant 0 : index
      %get3A_78 = arith.constant 0 : index
      %get3A_79 = vector.load %arg9[%get3A_76, %get3A_77, %get3A_78] : memref<3x1024x768xf32, #tpu.memory_space<vmem>>, vector<1x1024x768xf32>
      %get3A_80 = vector.shape_cast %get3A_79 : vector<1x1024x768xf32> to vector<1024x768xf32>
      %dot_general3A_81 = arith.constant dense<0.000000e+00> : vector<256x768xf32>
      %dot_general3A_82 = tpu.matmul %mul3A_75, %get3A_80, %dot_general3A_81 {dimension_numbers = #tpu.dot_dimension_numbers<[1], [0], [0], [1], [0, 0, 1, 1], [], []>, transpose_lhs_hint = false} : vector<256x1024xf32>, vector<1024x768xf32>, vector<256x768xf32> -> vector<256x768xf32>
      %get3A_83 = arith.constant 0 : index
      %get3A_84 = arith.constant 0 : index
      %get3A_85 = arith.constant 0 : index
      %get3A_86 = vector.load %arg6[%get3A_83, %get3A_84, %get3A_85] : memref<1x1x768xf32, #tpu.memory_space<vmem>>, vector<1x1x768xf32>
      %get3A_87 = vector.shape_cast %get3A_86 : vector<1x1x768xf32> to vector<1x768xf32>
      %add3A_88 = vector.broadcast %get3A_87 : vector<1x768xf32> to vector<256x768xf32>
      %add3A_89 = arith.addf %dot_general3A_82, %add3A_88 : vector<256x768xf32>
      %swap3A = arith.constant 0 : index
      %swap3A_90 = arith.constant 0 : index
      %swap3A_91 = vector.load %arg7[%swap3A, %swap3A_90] : memref<256x768xf32, #tpu.memory_space<vmem>>, vector<256x768xf32>
      tpu.vector_store %arg7[%swap3A, %swap3A_90], %add3A_89 {strides = array<i32>} : memref<256x768xf32, #tpu.memory_space<vmem>>, vector<256x768xf32>,
    } else {
    }
    return
  }
  func.func @transform_0(%arg0: i32, %arg1: memref<1x40xi32, #tpu.memory_space<smem>>) -> (i32, i32) {
    %get3A = arith.constant 0 : index
    %get3A_0 = arith.constant 32 : index
    %get3A_1 = memref.load %arg1[%get3A, %get3A_0] : memref<1x40xi32, #tpu.memory_space<smem>>
    %sub3A = arith.constant 1 : i32
    %sub3A_2 = arith.subi %get3A_1, %sub3A : i32
    %min3A = arith.minsi %arg0, %sub3A_2 : i32
    %c0_i32 = arith.constant 0 : i32
    %c0_i32_3 = arith.constant 0 : i32
    return %min3A, %c0_i32 : i32, i32
  }
  func.func @transform_2(%arg0: i32, %arg1: memref<1x40xi32, #tpu.memory_space<smem>>) -> (i32, i32, i32) {
    %get3A = arith.constant 0 : index
    %get3A_0 = arith.index_cast %arg0 : i32 to index
    %get3A_1 = memref.load %arg1[%get3A, %get3A_0] : memref<1x40xi32, #tpu.memory_space<smem>>
    %c0_i32 = arith.constant 0 : i32
    %c0_i32_2 = arith.constant 0 : i32
    %c0_i32_3 = arith.constant 0 : i32
    return %get3A_1, %c0_i32, %c0_i32_2 : i32, i32, i32
  }
  func.func @transform_4(%arg0: i32, %arg1: memref<1x40xi32, #tpu.memory_space<smem>>) -> (i32, i32, i32) {
    %get3A = arith.constant 0 : index
    %get3A_0 = arith.index_cast %arg0 : i32 to index
    %get3A_1 = memref.load %arg1[%get3A, %get3A_0] : memref<1x40xi32, #tpu.memory_space<smem>>
    %c0_i32 = arith.constant 0 : i32
    %c0_i32_2 = arith.constant 0 : i32
    %c0_i32_3 = arith.constant 0 : i32
    return %get3A_1, %c0_i32, %c0_i32_2 : i32, i32, i32
  }
  func.func @transform_5(%arg0: i32, %arg1: memref<1x40xi32, #tpu.memory_space<smem>>) -> (i32, i32) {
    %get3A = arith.constant 0 : index
    %get3A_0 = arith.constant 32 : index
    %get3A_1 = memref.load %arg1[%get3A, %get3A_0] : memref<1x40xi32, #tpu.memory_space<smem>>
    %sub3A = arith.constant 1 : i32
    %sub3A_2 = arith.subi %get3A_1, %sub3A : i32
    %min3A = arith.minsi %arg0, %sub3A_2 : i32
    %c0_i32 = arith.constant 0 : i32
    %c0_i32_3 = arith.constant 0 : i32
    return %min3A, %c0_i32 : i32, i32
  }
}

</mosaic_0001>

<sc_bundles>
// kernel: kernel.6.cloned.1.call-start
scs
__scs_entry_jumppad:
0x0: {  	(pc) =	sbr.rel $0x88, $3  }
0x1: {  	(tag) =	ssettag $0x0;
	lr =	simm.s32 $0x1  }
0x2: {  	[smem:$0x3F9A] =	sst lr;
	_ =	strace $0xD0000000  }
0x3: {  	_ = 	snop  }
0x4: {  	_ = 	snop  }
0x5: {  	_ = 	snop  }
0x6: {  	_ = 	snop  }
0x7: {  	_ = 	snop  }
__scs_overlays_trampoline_lowered:
0x8: {  	[smem:$0x3FA9] =	sst s0  }
0x9: {  	[smem:$0x3FAA] =	sst s1  }
0xa: {  	[smem:$0x3FAB] =	sst s2  }
0xb: {  	[smem:$0x3FAC] =	sst s3  }
0xc: {  	[smem:$0x3FAD] =	sst s4  }
0xd: {  	[smem:$0x3FAE] =	sst s5  }
0xe: {  	[smem:$0x3FAF] =	sst s6  }
0xf: {  	[smem:$0x3FB0] =	sst s7  }
0x10: {  	[smem:$0x3FB1] =	sst s8  }
0x11: {  	[smem:$0x3FB2] =	sst s9;
	s0 =	simm.s32 @!p0 $0x0  }
0x12: {  	s1 =	sld [smem:$0x3F98];
	s0 =	simm.s32 @p0 $0x1  }
0x13: {  	[smem:$0x3FB3] =	sst s0;
	s0 =	simm.s32 @!p1 $0x0  }
0x14: {  	s2 =	sld [smem:$0x3F97];
	s0 =	simm.s32 @p1 $0x1  }
0x15: {  	[smem:$0x3FB4] =	sst s0;
	s0 =	simm.s32 @!p2 $0x0  }
0x16: {  	s3 =	sld [smem:$0x3FDB];
	s0 =	simm.s32 @p2 $0x1  }
0x17: {  	s4 =	simm.s32 $0x1BF5;
	[smem:$0x3FB6] =	sst s0  }
0x18: {  	s0 =	sld [smem:$0x3F99];
	_ =	swait.ge [sflag:s4], $0x0  }
0x19: {  	s7 =	sld [smem:$0x3F9A]  }
0x1a: {  	s8 =	sadd.s32 $0xFFFFE003, lr  }
0x1b: {  	s9 =	sadd.s32 $0xFFFFFEF7, lr;
	s5 =	simm.s32 $0xFFFFFFFF;
	p2 =	slt.u32 s8, $0xFFFFF086  }
0x1c: {  	p1 =	slt.u32 s9, $0xF7A;
	s5 =	simm.s32 @!p2 $0x0  }
0x1d: {  	s5 =	simm.s32 @p1 $0x1;
	p0 =	seq.s32 s7, s2  }
0x1e: {  	s7 =	smul.u32 @!p0 $0xF7A, s2;
	p2 =	seq.s32 @!p0 s5, $0x0  }
0x1f: {  	s9 =	smul.u32 $0xF7A, s1;
	s8 =	simm.s32 @!p0 $0x1BF5;
	p2 =	por !p2, p0  }
0x20: {  	[sflag:s8] =	ssyncset.s32 @!p0 $0xFFFFF086;
	s6 =	sadd.s32 @!p0 s3, s7;
	s7 =	simm.s32 @!p0 $0x108  }
0x21: {  	s3 =	sadd.s32 s3, s9;
	s6 =	sadd.s32 @!p0 $0x88, s6;
	s7 =	simm.s32 @p2 $0x1082  }
0x22: {  	[simem:s7], [sflag:s8] =	dma.local @!p0 [hbm:s6], $0xF7A  }
0x23: {  	s9 =	sor.u32 $0xD0000000, s2;
	s6 =	simm.s32 $0x108;
	_ =	swait.ge @!p0 [sflag:s8], $0x0  }
0x24: {  	s3 =	sadd.s32 $0x88, s3;
	s6 =	simm.s32 @!p1 $0x1082;
	[sflag:s4] =	ssyncset.s32 $0xFFFFF086  }
0x25: {  	[simem:s6], [sflag:s4] =	dma.local [hbm:s3], $0xF7A  }
0x26: {  	[smem:$0x3F9A] =	sst s1;
	(tag) =	ssettag s2;
	_ =	strace s9  }
0x27: {  	s1 =	sld [smem:$0x3FAA]  }
0x28: {  	s2 =	sld [smem:$0x3FAB]  }
0x29: {  	s4 =	sld [smem:$0x3FAD]  }
0x2a: {  	p0 =	seq.s32 s5, $0x0;
	s5 =	sld [smem:$0x3FAE]  }
0x2b: {  	s6 =	sld [smem:$0x3FAF]  }
0x2c: {  	s7 =	sld [smem:$0x3FB0]  }
0x2d: {  	s3 =	simm.s32 $0x108;
	s8 =	sld [smem:$0x3FB1]  }
0x2e: {  	s3 =	simm.s32 @!p0 $0x1082;
	s9 =	sld [smem:$0x3FB2]  }
0x2f: {  	lr =	sadd.s32 s0, s3;
	s0 =	sld [smem:$0x3FA9]  }
0x30: {  	s3 =	sld [smem:$0x3FAC]  }
0x31: {  	[smem:$0x3FB5] =	sst s10  }
0x32: {  	s10 =	sld [smem:$0x3FB3];
	_ =	sdelay $0x3  }
0x33: {  	p0 =	seq.s32 s10, $0x1;
	s10 =	sld [smem:$0x3FB5];
	_ =	sdelay $0x3  }
0x34: {  	[smem:$0x3FB5] =	sst s10  }
0x35: {  	s10 =	sld [smem:$0x3FB4];
	_ =	sdelay $0x3  }
0x36: {  	p1 =	seq.s32 s10, $0x1;
	s10 =	sld [smem:$0x3FB5];
	_ =	sdelay $0x3  }
0x37: {  	[smem:$0x3FB5] =	sst s10  }
0x38: {  	s10 =	sld [smem:$0x3FB6]  }
0x39: {  	_ = 	snop;
	(pc) =	sbr.ind lr, $3  }
0x3a: {  	_ = 	snop  }
0x3b: {  	_ = 	snop  }
0x3c: {  	p2 =	seq.s32 s10, $0x1;
	s10 =	sld [smem:$0x3FB5]  }
0x3d: {  	_ =	shalt  }
0x3e: {  	_ =	shalt  }
0x3f: {  	_ =	shalt  }
0x40: {  	_ =	shalt  }
0x41: {  	_ =	shalt  }
0x42: {  	_ =	shalt  }
0x43: {  	_ =	shalt  }
0x44: {  	_ =	shalt  }
0x45: {  	_ =	shalt  }
0x46: {  	_ =	shalt  }
0x47: {  	_ =	shalt  }
0x48: {  	_ =	shalt  }
0x49: {  	_ =	shalt  }
0x4a: {  	_ =	shalt  }
0x4b: {  	_ =	shalt  }
0x4c: {  	_ =	shalt  }
0x4d: {  	_ =	shalt  }
0x4e: {  	_ =	shalt  }
0x4f: {  	_ =	shalt  }
0x50: {  	_ =	shalt  }
0x51: {  	_ =	shalt  }
0x52: {  	_ =	shalt  }
0x53: {  	_ =	shalt  }
0x54: {  	_ =	shalt  }
0x55: {  	_ =	shalt  }
0x56: {  	_ =	shalt  }
0x57: {  	_ =	shalt  }
0x58: {  	_ =	shalt  }
0x59: {  	_ =	shalt  }
0x5a: {  	_ =	shalt  }
0x5b: {  	_ =	shalt  }
0x5c: {  	_ =	shalt  }
0x5d: {  	_ =	shalt  }
0x5e: {  	_ =	shalt  }
0x5f: {  	_ =	shalt  }
0x60: {  	_ =	shalt  }
0x61: {  	_ =	shalt  }
0x62: {  	_ =	shalt  }
0x63: {  	_ =	shalt  }
0x64: {  	_ =	shalt  }
0x65: {  	_ =	shalt  }
0x66: {  	_ =	shalt  }
0x67: {  	_ =	shalt  }
0x68: {  	_ =	shalt  }
0x69: {  	_ =	shalt  }
0x6a: {  	_ =	shalt  }
0x6b: {  	_ =	shalt  }
0x6c: {  	_ =	shalt  }
0x6d: {  	_ =	shalt  }
0x6e: {  	_ =	shalt  }
0x6f: {  	_ =	shalt  }
0x70: {  	_ =	shalt  }
0x71: {  	_ =	shalt  }
0x72: {  	_ =	shalt  }
0x73: {  	_ =	shalt  }
0x74: {  	_ =	shalt  }
0x75: {  	_ =	shalt  }
0x76: {  	_ =	shalt  }
0x77: {  	_ =	shalt  }
0x78: {  	_ =	shalt  }
0x79: {  	_ =	shalt  }
0x7a: {  	_ =	shalt  }
0x7b: {  	_ =	shalt  }
0x7c: {  	_ =	shalt  }
0x7d: {  	_ =	shalt  }
0x7e: {  	_ =	shalt  }
0x7f: {  	_ =	shalt  }
0x80: {  	_ =	shalt  }
0x81: {  	_ =	shalt  }
0x82: {  	_ =	shalt  }
0x83: {  	_ =	shalt  }
0x84: {  	_ =	shalt  }
0x85: {  	_ =	shalt  }
0x86: {  	_ =	shalt  }
0x87: {  	_ =	shalt  }
.Lfunc_end0:
.L_simem_size_0:
called_computation_lowered:
.L_overlay_start_0:
0x88: {  	s2 =	sld [smem:$0x3FD9]  }
0x89: {  	s3 =	sld [smem:$0x3FFE];
	_ =	sdelay $0x1  }
0x8a: {  	s1 =	srdreg.scid  }
0x8b: {  	s0 =	sand.u32 $0x1, s1  }
0x8c: {  	s17 =	sshll.u32 s0, $0xA;
	s2 =	sadd.s32 s3, s2  }
0x8d: {  	s2 =	sadd.s32 s2, s17  }
0x8e: {  	[smem:$0x3FC1] =	sst s2  }
0x8f: {  	_ = 	snop  }
0x90: {  	s2 =	sld [smem:$0x3FC9];
	(tm) =	ssettm $0x1  }
0x91: {  	s18 =	sld [smem:$0x3FFB];
	_ =	sdelay $0x3  }
0x92: {  	_ =	strace s18  }
0x93: {  	s3 =	sld [smem:$0x3FFC];
	_ =	sdelay $0x3  }
0x94: {  	_ =	strace s3  }
0x95: {  	s3 =	sld [smem:$0x3FFD];
	_ =	sdelay $0x3  }
0x96: {  	_ =	strace s3  }
0x97: {  	_ =	strace $0x8FFFFFFF  }
0x98: {  	s19 =	sld [smem:$0x3FDB];
	_ =	sdelay $0x1  }
0x99: {  	s4 =	simm.s32 $_scs_section_size  }
0x9a: {  	s5 =	simm.s32 $_size__tile_overlayer_lowered;
	s6 =	simm.s32 $_tile_overlayer_lowered  }
0x9b: {  	s22 =	simm.s32 $0x1BFF;
	s21 =	sshll.u32 s6, $0x1;
	s3 =	sadd.s32 s4, s19  }
0x9c: {  	s7 =	simm.s32 $0x0;
	s20 =	sshll.u32 s5, $0x1;
	s5 =	sadd.s32 s21, s3  }
0x9d: {  	[timem:s7], [sflag:s22] =	dma.local [hbm:s5], s20  }
0x9e: {  	_ =	swait.ge [sflag:s22], s20  }
0x9f: {  	s4 =	ssub.s32 $0x0, s20;
	[sflag:s22] =	ssyncset.done $0x0  }
0xa0: {  	[sflag:s22] =	ssyncadd.s32 s4;
	_ =	sdelay $0x1  }
0xa1: {  	s23 =	simm.s32 $0x1B8B  }
0xa2: {  	_ =	swait.ge [sflag:s23], $0x1  }
0xa3: {  	[sflag:s23] =	ssyncset.done $0x0  }
0xa4: {  	s25 =	simm.s32 $0x1B8E;
	s24 =	sld [smem:$0x3FFE];
	[sflag:s23] =	ssyncadd.s32 $0xFFFFFFFF  }
0xa5: {  	s26 =	simm.s32 $execute0_lowered;
	[smem:$0x3FD2] =	sst s25  }
0xa6: {  	s5 =	sshll.u32 s26, $0x1;
	_ =	strace $0x80000046;
	[dreg:$0x1] =	wrdreg $0xFFFFFFFF  }
0xa7: {  	s28 =	simm.s32 $_size_execute0_lowered;
	s3 =	sadd.s32 s3, s5;
	[dreg:$0x0] =	wrdreg $0x0  }
0xa8: {  	s5 =	sshll.u32 s28, $0x1;
	[dreg:$0x2] =	wrdreg s3  }
0xa9: {  	[dreg:$0x3] =	wrdreg s5  }
0xaa: {  	[dreg:$0x4] =	wrdreg $0xC0  }
0xab: {  	_ =	task [dreg:s7], $0x5FFFF  }
0xac: {  	[dreg:$0x1] =	wrdreg $0xFFFFFFFF  }
0xad: {  	[dreg:$0x0] =	wrdreg $0x60  }
0xae: {  	[dreg:$0x2] =	wrdreg s2  }
0xaf: {  	[dreg:$0x3] =	wrdreg s24  }
0xb0: {  	[dreg:$0x4] =	wrdreg $0x9  }
0xb1: {  	_ =	task.clear_ibuf [dreg:s7], $0x5FFFF;
	_ =	strace $0x90000046  }
0xb2: {  	s29 =	simm.s32 $0x9;
	_ =	strace $0x80000048  }
0xb3: {  	_ =	swait.ge [sflag:s29], $0x1  }
0xb4: {  	[sflag:s29] =	ssyncadd.s32 $0xFFFFFFFF  }
0xb5: {  	_ =	strace $0x90000048  }
0xb6: {  	_ =	sfence  }
0xb7: {  	s30 =	sld [smem:$0x0];
	_ =	sdelay $0x2  }
0xb8: {  	s31 =	sshll.u32 s1, $0xD;
	s1 =	sshrl.u32 s1, $0x2  }
0xb9: {  	s3 =	sand.u32 $0x4000, s31;
	s1 =	sadd.s32 s1, s30  }
0xba: {  	s0 =	sor.u32 s3, s0;
	s1 =	sshll.u32 s1, $0x11  }
0xbb: {  	s0 =	sor.u32 s1, s0  }
0xbc: {  	s0 =	sadd.s32 $0x8F2B, s0  }
0xbd: {  	[sflag:s0] =	ssyncadd.remote.s32 $0x1  }
0xbe: {  	_ =	sfence.sel $0xFFFF  }
0xbf: {  	[dreg:$0x0] =	wrdreg $0xFFFFFFFF;
	(pc) =	sbr.abs _section_cstart, $3  }
0xc0: {  	[dreg:$0x1] =	wrdreg $0xFFFFFFFF  }
0xc1: {  	_ =	task.clear_ibuf [dreg:s7], $0x2FFFF;
	_ =	strace $0x9FFFFFFF  }
0xc2: {  	(tm) =	ssettm $0x7FFFFFFF  }
0xc3: {  	_ =	shalt  }
tec
execute0_lowered:
.L_overlay_start_1:
0x0: {  	(tag) =	ssettag $0x1  }
0x1: {  	s1 =	srdreg.scid  }
0x2: {  	s3 =	rddreg [dreg:$0x0];
	s0 =	stileid.u32  }
0x3: {  	s5 =	rddreg [dreg:$0x1];
	s2 =	simm.s32 $0x0;
	s8 =	simm.s32 $0x80  }
0x4: {  	s26 =	simm.s32 $0x880;
	s9 =	simm.s32 $0x1080;
	s10 =	simm.s32 $0x1880  }
0x5: {  	s11 =	simm.s32 $0x2080;
	s12 =	simm.s32 $0x2880;
	s13 =	simm.s32 $0x3080  }
0x6: {  	s14 =	simm.s32 $0x3880;
	s15 =	simm.s32 $0x4080;
	s16 =	simm.s32 $0x4880  }
0x7: {  	s17 =	simm.s32 $0x5080;
	s18 =	simm.s32 $0x5880;
	s19 =	simm.s32 $0x6080  }
0x8: {  	s20 =	simm.s32 $0x6880;
	s21 =	simm.s32 $0x7080;
	s22 =	simm.s32 $0x7880  }
0x9: {  	s23 =	simm.s32 $0x8080;
	s24 =	simm.s32 $0x8880;
	s25 =	simm.s32 $0x9080  }
0xa: {  	s28 =	simm.s32 $0xA080;
	s29 =	simm.s32 $0xA880;
	s30 =	simm.s32 $0xB080  }
0xb: {  	s31 =	simm.s32 $0xB880;
	s1 =	sand.u32 $0x1, s1;
	[smem:$0x7FF] =	sst s2  }
0xc: {  	s4 =	sshll.u32 s0, $0x4;
	s6 =	sshll.u32 s1, $0x3;
	_ =	strace $0x80000047  }
0xd: {  	s1 =	ssub.s32 $0x2, s1;
	[dreg:$0x5] =	wrdreg s26;
	s4 =	sor.u32 s6, s4  }
0xe: {  	s7 =	sshrl.u32 s1, $0x1;
	s6 =	sadd.s32 s4, s5;
	s4 =	smul.u32 $0x300, s4  }
0xf: {  	s26 =	simm.s32 $0x9880;
	s1 =	ssub.s32 s1, s7;
	s6 =	sadd.s32 $0x1000, s6  }
0x10: {  	v2 =	vlaneseq.u32;
	s7 =	simm.s32 $0x2;
	[dreg:$0x3] =	wrdreg s6;
	s4 =	sadd.s32 s3, s4  }
0x11: {  	vm0 =	vmmov $0xffff;
	v1 =	vshrl.u32 v2, $0x3;
	s3 =	sadd.s32 $0x1200, s5;
	s6 =	smax.u32 s1, $0x1;
	s1 =	simm.s32 $0x1  }
0x12: {  	v0 =	vand.u32 $0x7, v2;
	v2 =	vor.u32 $0x8, v2;
	v1 =	vmul.u32 $0x8, v1;
	[dreg:$0x4] =	wrdreg s4;
	s4 =	sadd.s32 $0x1300, s5;
	s5 =	sadd.s32 $0x1400, s5  }
.LBB2_1:
0x13: {  	s0 =	rddreg [dreg:$0x3]  }
0x14: {  	[tilespmem:s2], [sflag:$0x2] =	stream.linear.gather [hbm4b:s0+s2], $0x40, $0x38;
	[tilespmem:$0xC080] =	vst v63  }
0x15: {  	_ =	swait.ge [sflag:s7], $0x40  }
0x16: {  	[sflag:s7] =	ssyncset.done $0x0  }
0x17: {  	s0 =	rddreg [dreg:$0x4];
	[sflag:s7] =	ssyncadd.s32 $0xFFFFFFC0  }
0x18: {  	[tilespmem:s8], [sflag:$0x2] =	stream.linear.gather [hbm4b:s0+s2], $0xC000, $0x38;
	[tilespmem:$0xC080] =	vst v63  }
0x19: {  	_ =	swait.ge [sflag:s7], $0xC000  }
0x1a: {  	[sflag:s7] =	ssyncset.done $0x0  }
0x1b: {  	[sflag:s7] =	ssyncadd.s32 $0xFFFF4000  }
0x1c: {  	v3 =	vld [tilespmem:$0x0];
	_ =	sdelay $0x4  }
0x1d: {  	v4 =	vshrl.u32 v3, $0x3  }
0x1e: {  	v4 =	vmul.u32 $0x30, v4  }
0x1f: {  	v3 =	vand.u32 $0x7, v3  }
0x20: {  	v3 =	vor.u32 v3, v4  }
0x21: {  	v4 =	vperm.xlane v3, v0;
	_ =	sdelay $0x1  }
0x22: {  	v4 =	vadd.s32 v1, v4;
	_ =	sdelay $0x3  }
0x23: {  	v3 =	vperm.xlane v3, v2  }
0x24: {  	[hbm4b:s3+s2] =	stream.indirect_vreg.scatter [tilespmem:s8], [sflag:$0x1], $0x80, v4, vm0, $0xb8;
	[tilespmem:$0xC080] =	vst v63  }
0x25: {  	s0 =	rddreg [dreg:$0x5];
	v3 =	vadd.s32 v1, v3  }
0x26: {  	[hbm4b:s4+s2] =	stream.indirect_vreg.scatter [tilespmem:s0], [sflag:$0x1], $0x80, v4, vm0, $0xb8;
	[tilespmem:$0xC080] =	vst v63  }
0x27: {  	_ = 	snop  }
0x28: {  	[hbm4b:s5+s2] =	stream.indirect_vreg.scatter [tilespmem:s9], [sflag:$0x1], $0x80, v4, vm0, $0xb8;
	[tilespmem:$0xC080] =	vst v63  }
0x29: {  	_ = 	snop  }
0x2a: {  	[hbm4b:s3+s2] =	stream.indirect_vreg.scatter [tilespmem:s10], [sflag:$0x1], $0x80, v3, vm0, $0xb8;
	[tilespmem:$0xC080] =	vst v63  }
0x2b: {  	_ = 	snop  }
0x2c: {  	[hbm4b:s4+s2] =	stream.indirect_vreg.scatter [tilespmem:s11], [sflag:$0x1], $0x80, v3, vm0, $0xb8;
	[tilespmem:$0xC080] =	vst v63  }
0x2d: {  	_ = 	snop  }
0x2e: {  	[hbm4b:s5+s2] =	stream.indirect_vreg.scatter [tilespmem:s12], [sflag:$0x1], $0x80, v3, vm0, $0xb8;
	[tilespmem:$0xC080] =	vst v63  }
0x2f: {  	v3 =	vld [tilespmem:$0x10];
	_ =	sdelay $0x4  }
0x30: {  	v61 =	vshrl.u32 v3, $0x3  }
0x31: {  	v4 =	vmul.u32 $0x30, v61  }
0x32: {  	v3 =	vand.u32 $0x7, v3  }
0x33: {  	v3 =	vor.u32 v3, v4  }
0x34: {  	v4 =	vperm.xlane v3, v0;
	_ =	sdelay $0x1  }
0x35: {  	v4 =	vadd.s32 v1, v4;
	_ =	sdelay $0x3  }
0x36: {  	v3 =	vperm.xlane v3, v2  }
0x37: {  	[hbm4b:s3+s2] =	stream.indirect_vreg.scatter [tilespmem:s13], [sflag:$0x1], $0x80, v4, vm0, $0xb8;
	[tilespmem:$0xC080] =	vst v63  }
0x38: {  	v3 =	vadd.s32 v1, v3  }
0x39: {  	[hbm4b:s4+s2] =	stream.indirect_vreg.scatter [tilespmem:s14], [sflag:$0x1], $0x80, v4, vm0, $0xb8;
	[tilespmem:$0xC080] =	vst v63  }
0x3a: {  	_ = 	snop  }
0x3b: {  	[hbm4b:s5+s2] =	stream.indirect_vreg.scatter [tilespmem:s15], [sflag:$0x1], $0x80, v4, vm0, $0xb8;
	[tilespmem:$0xC080] =	vst v63  }
0x3c: {  	_ = 	snop  }
0x3d: {  	[hbm4b:s3+s2] =	stream.indirect_vreg.scatter [tilespmem:s16], [sflag:$0x1], $0x80, v3, vm0, $0xb8;
	[tilespmem:$0xC080] =	vst v63  }
0x3e: {  	_ = 	snop  }
0x3f: {  	[hbm4b:s4+s2] =	stream.indirect_vreg.scatter [tilespmem:s17], [sflag:$0x1], $0x80, v3, vm0, $0xb8;
	[tilespmem:$0xC080] =	vst v63  }
0x40: {  	_ = 	snop  }
0x41: {  	[hbm4b:s5+s2] =	stream.indirect_vreg.scatter [tilespmem:s18], [sflag:$0x1], $0x80, v3, vm0, $0xb8;
	[tilespmem:$0xC080] =	vst v63  }
0x42: {  	v3 =	vld [tilespmem:$0x20];
	_ =	sdelay $0x4  }
0x43: {  	v62 =	vshrl.u32 v3, $0x3  }
0x44: {  	v4 =	vmul.u32 $0x30, v62  }
0x45: {  	v3 =	vand.u32 $0x7, v3  }
0x46: {  	v3 =	vor.u32 v3, v4  }
0x47: {  	v4 =	vperm.xlane v3, v0;
	_ =	sdelay $0x1  }
0x48: {  	v4 =	vadd.s32 v1, v4;
	_ =	sdelay $0x3  }
0x49: {  	v3 =	vperm.xlane v3, v2  }
0x4a: {  	[hbm4b:s3+s2] =	stream.indirect_vreg.scatter [tilespmem:s19], [sflag:$0x1], $0x80, v4, vm0, $0xb8;
	[tilespmem:$0xC080] =	vst v63  }
0x4b: {  	v3 =	vadd.s32 v1, v3  }
0x4c: {  	[hbm4b:s4+s2] =	stream.indirect_vreg.scatter [tilespmem:s20], [sflag:$0x1], $0x80, v4, vm0, $0xb8;
	[tilespmem:$0xC080] =	vst v63  }
0x4d: {  	_ = 	snop  }
0x4e: {  	[hbm4b:s5+s2] =	stream.indirect_vreg.scatter [tilespmem:s21], [sflag:$0x1], $0x80, v4, vm0, $0xb8;
	[tilespmem:$0xC080] =	vst v63  }
0x4f: {  	_ = 	snop  }
0x50: {  	[hbm4b:s3+s2] =	stream.indirect_vreg.scatter [tilespmem:s22], [sflag:$0x1], $0x80, v3, vm0, $0xb8;
	[tilespmem:$0xC080] =	vst v63  }
0x51: {  	_ = 	snop  }
0x52: {  	[hbm4b:s4+s2] =	stream.indirect_vreg.scatter [tilespmem:s23], [sflag:$0x1], $0x80, v3, vm0, $0xb8;
	[tilespmem:$0xC080] =	vst v63  }
0x53: {  	_ = 	snop  }
0x54: {  	[hbm4b:s5+s2] =	stream.indirect_vreg.scatter [tilespmem:s24], [sflag:$0x1], $0x80, v3, vm0, $0xb8;
	[tilespmem:$0xC080] =	vst v63  }
0x55: {  	v3 =	vld [tilespmem:$0x30];
	_ =	sdelay $0x4  }
0x56: {  	v63 =	vshrl.u32 v3, $0x3  }
0x57: {  	v4 =	vmul.u32 $0x30, v63  }
0x58: {  	v3 =	vand.u32 $0x7, v3  }
0x59: {  	v3 =	vor.u32 v3, v4  }
0x5a: {  	v4 =	vperm.xlane v3, v0;
	_ =	sdelay $0x1  }
0x5b: {  	v4 =	vadd.s32 v1, v4;
	_ =	sdelay $0x3  }
0x5c: {  	v3 =	vperm.xlane v3, v2  }
0x5d: {  	[hbm4b:s3+s2] =	stream.indirect_vreg.scatter [tilespmem:s25], [sflag:$0x1], $0x80, v4, vm0, $0xb8;
	[tilespmem:$0xC080] =	vst v63  }
0x5e: {  	v3 =	vadd.s32 v1, v3  }
0x5f: {  	[hbm4b:s4+s2] =	stream.indirect_vreg.scatter [tilespmem:s26], [sflag:$0x1], $0x80, v4, vm0, $0xb8;
	[tilespmem:$0xC080] =	vst v63  }
0x60: {  	_ = 	snop  }
0x61: {  	[hbm4b:s5+s2] =	stream.indirect_vreg.scatter [tilespmem:s28], [sflag:$0x1], $0x80, v4, vm0, $0xb8;
	[tilespmem:$0xC080] =	vst v63  }
0x62: {  	_ = 	snop  }
0x63: {  	[hbm4b:s3+s2] =	stream.indirect_vreg.scatter [tilespmem:s29], [sflag:$0x1], $0x80, v3, vm0, $0xb8;
	[tilespmem:$0xC080] =	vst v63  }
0x64: {  	p0 =	sne.s32 s6, $0x1  }
0x65: {  	[hbm4b:s4+s2] =	stream.indirect_vreg.scatter [tilespmem:s30], [sflag:$0x1], $0x80, v3, vm0, $0xb8;
	[tilespmem:$0xC080] =	vst v63  }
.Ltmp0:
0x66: {  	_ = 	snop;
	(pc) =	sbr.rel @p0 .LBB2_1-.Ltmp0, $4  }
0x67: {  	[hbm4b:s5+s2] =	stream.indirect_vreg.scatter [tilespmem:s31], [sflag:$0x1], $0x80, v3, vm0, $0xb8;
	[tilespmem:$0xC080] =	vst v63  }
0x68: {  	_ =	swait.ge [sflag:s1], $0xC000  }
0x69: {  	[sflag:s1] =	ssyncset.done $0x0  }
0x6a: {  	s6 =	sadd.s32 $0xFFFFFFFF, s6;
	[sflag:s1] =	ssyncadd.s32 $0xFFFF4000  }
0x6b: {  	_ =	sfence.sel $0x180000  }
0x6c: {  	[bflag:$0x0] =	sbarrier.arrive $0xFFFF  }
0x6d: {  	_ =	strace $0x90000047  }
0x6e: {  	s0 =	stileid.u32;
	[bflag:$0x2] =	sbarrier.arrive $0xFFFF  }
0x6f: {  	p0 =	sne.s32 s0, $0x0;
	s0 =	rddreg [dreg:$0x2]  }
0x70: {  	s0 =	sadd.s32 @!p0 $0x100000, s0  }
0x71: {  	[sflag:s0] =	ssyncadd.tile.s32 @!p0 $0x1;
	_ =	shalt  }
.Lfunc_end2:
_tile_overlayer_lowered:
.L_overlay_start_2:
0x72: {  	(tag) =	ssettag $0x2  }
0x73: {  	s0 =	rddreg [dreg:$0x0];
	s2 =	stileid.u32  }
0x74: {  	s1 =	rddreg [dreg:$0x1];
	p0 =	sne.s32 s2, $0x0  }
0x75: {  	s3 =	rddreg [dreg:$0x2];
	[bflag:$0x3] =	sbarrier.arrive $0xFFFF;
	s2 =	simm.s32 @!p0 $0x1C02  }
0x76: {  	[timem:s3], [sflag:s2] =	dma.local @!p0 [hbm:s0], s1  }
0x77: {  	s0 =	simm.s32 @!p0 $0x2  }
0x78: {  	_ =	swait.ge @!p0 [sflag:s0], s1  }
0x79: {  	s1 =	ssub.s32 @!p0 $0x0, s1;
	[sflag:s0] =	ssyncset.done @!p0 $0x0  }
0x7a: {  	[sflag:s0] =	ssyncadd.s32 @!p0 s1  }
0x7b: {  	[bflag:$0x3] =	sbarrier.arrive $0xFFFF  }
0x7c: {  	_ =	shalt  }

// kernel: kernel.9.cloned.1.call-start
scs
__scs_entry_jumppad:
0x0: {  	(pc) =	sbr.rel $0x88, $3  }
0x1: {  	(tag) =	ssettag $0x0;
	lr =	simm.s32 $0x1  }
0x2: {  	[smem:$0x3F9A] =	sst lr;
	_ =	strace $0xD0000000  }
0x3: {  	_ = 	snop  }
0x4: {  	_ = 	snop  }
0x5: {  	_ = 	snop  }
0x6: {  	_ = 	snop  }
0x7: {  	_ = 	snop  }
__scs_overlays_trampoline_lowered:
0x8: {  	[smem:$0x3FA9] =	sst s0  }
0x9: {  	[smem:$0x3FAA] =	sst s1  }
0xa: {  	[smem:$0x3FAB] =	sst s2  }
0xb: {  	[smem:$0x3FAC] =	sst s3  }
0xc: {  	[smem:$0x3FAD] =	sst s4  }
0xd: {  	[smem:$0x3FAE] =	sst s5  }
0xe: {  	[smem:$0x3FAF] =	sst s6  }
0xf: {  	[smem:$0x3FB0] =	sst s7  }
0x10: {  	[smem:$0x3FB1] =	sst s8  }
0x11: {  	[smem:$0x3FB2] =	sst s9;
	s0 =	simm.s32 @!p0 $0x0  }
0x12: {  	s1 =	sld [smem:$0x3F98];
	s0 =	simm.s32 @p0 $0x1  }
0x13: {  	[smem:$0x3FB3] =	sst s0;
	s0 =	simm.s32 @!p1 $0x0  }
0x14: {  	s2 =	sld [smem:$0x3F97];
	s0 =	simm.s32 @p1 $0x1  }
0x15: {  	[smem:$0x3FB4] =	sst s0;
	s0 =	simm.s32 @!p2 $0x0  }
0x16: {  	s3 =	sld [smem:$0x3FDB];
	s0 =	simm.s32 @p2 $0x1  }
0x17: {  	s4 =	simm.s32 $0x1BF5;
	[smem:$0x3FB6] =	sst s0  }
0x18: {  	s0 =	sld [smem:$0x3F99];
	_ =	swait.ge [sflag:s4], $0x0  }
0x19: {  	s7 =	sld [smem:$0x3F9A]  }
0x1a: {  	s8 =	sadd.s32 $0xFFFFE003, lr  }
0x1b: {  	s9 =	sadd.s32 $0xFFFFFEF7, lr;
	s5 =	simm.s32 $0xFFFFFFFF;
	p2 =	slt.u32 s8, $0xFFFFF086  }
0x1c: {  	p1 =	slt.u32 s9, $0xF7A;
	s5 =	simm.s32 @!p2 $0x0  }
0x1d: {  	s5 =	simm.s32 @p1 $0x1;
	p0 =	seq.s32 s7, s2  }
0x1e: {  	s7 =	smul.u32 @!p0 $0xF7A, s2;
	p2 =	seq.s32 @!p0 s5, $0x0  }
0x1f: {  	s9 =	smul.u32 $0xF7A, s1;
	s8 =	simm.s32 @!p0 $0x1BF5;
	p2 =	por !p2, p0  }
0x20: {  	[sflag:s8] =	ssyncset.s32 @!p0 $0xFFFFF086;
	s6 =	sadd.s32 @!p0 s3, s7;
	s7 =	simm.s32 @!p0 $0x108  }
0x21: {  	s3 =	sadd.s32 s3, s9;
	s6 =	sadd.s32 @!p0 $0x88, s6;
	s7 =	simm.s32 @p2 $0x1082  }
0x22: {  	[simem:s7], [sflag:s8] =	dma.local @!p0 [hbm:s6], $0xF7A  }
0x23: {  	s9 =	sor.u32 $0xD0000000, s2;
	s6 =	simm.s32 $0x108;
	_ =	swait.ge @!p0 [sflag:s8], $0x0  }
0x24: {  	s3 =	sadd.s32 $0x88, s3;
	s6 =	simm.s32 @!p1 $0x1082;
	[sflag:s4] =	ssyncset.s32 $0xFFFFF086  }
0x25: {  	[simem:s6], [sflag:s4] =	dma.local [hbm:s3], $0xF7A  }
0x26: {  	[smem:$0x3F9A] =	sst s1;
	(tag) =	ssettag s2;
	_ =	strace s9  }
0x27: {  	s1 =	sld [smem:$0x3FAA]  }
0x28: {  	s2 =	sld [smem:$0x3FAB]  }
0x29: {  	s4 =	sld [smem:$0x3FAD]  }
0x2a: {  	p0 =	seq.s32 s5, $0x0;
	s5 =	sld [smem:$0x3FAE]  }
0x2b: {  	s6 =	sld [smem:$0x3FAF]  }
0x2c: {  	s7 =	sld [smem:$0x3FB0]  }
0x2d: {  	s3 =	simm.s32 $0x108;
	s8 =	sld [smem:$0x3FB1]  }
0x2e: {  	s3 =	simm.s32 @!p0 $0x1082;
	s9 =	sld [smem:$0x3FB2]  }
0x2f: {  	lr =	sadd.s32 s0, s3;
	s0 =	sld [smem:$0x3FA9]  }
0x30: {  	s3 =	sld [smem:$0x3FAC]  }
0x31: {  	[smem:$0x3FB5] =	sst s10  }
0x32: {  	s10 =	sld [smem:$0x3FB3];
	_ =	sdelay $0x3  }
0x33: {  	p0 =	seq.s32 s10, $0x1;
	s10 =	sld [smem:$0x3FB5];
	_ =	sdelay $0x3  }
0x34: {  	[smem:$0x3FB5] =	sst s10  }
0x35: {  	s10 =	sld [smem:$0x3FB4];
	_ =	sdelay $0x3  }
0x36: {  	p1 =	seq.s32 s10, $0x1;
	s10 =	sld [smem:$0x3FB5];
	_ =	sdelay $0x3  }
0x37: {  	[smem:$0x3FB5] =	sst s10  }
0x38: {  	s10 =	sld [smem:$0x3FB6]  }
0x39: {  	_ = 	snop;
	(pc) =	sbr.ind lr, $3  }
0x3a: {  	_ = 	snop  }
0x3b: {  	_ = 	snop  }
0x3c: {  	p2 =	seq.s32 s10, $0x1;
	s10 =	sld [smem:$0x3FB5]  }
0x3d: {  	_ =	shalt  }
0x3e: {  	_ =	shalt  }
0x3f: {  	_ =	shalt  }
0x40: {  	_ =	shalt  }
0x41: {  	_ =	shalt  }
0x42: {  	_ =	shalt  }
0x43: {  	_ =	shalt  }
0x44: {  	_ =	shalt  }
0x45: {  	_ =	shalt  }
0x46: {  	_ =	shalt  }
0x47: {  	_ =	shalt  }
0x48: {  	_ =	shalt  }
0x49: {  	_ =	shalt  }
0x4a: {  	_ =	shalt  }
0x4b: {  	_ =	shalt  }
0x4c: {  	_ =	shalt  }
0x4d: {  	_ =	shalt  }
0x4e: {  	_ =	shalt  }
0x4f: {  	_ =	shalt  }
0x50: {  	_ =	shalt  }
0x51: {  	_ =	shalt  }
0x52: {  	_ =	shalt  }
0x53: {  	_ =	shalt  }
0x54: {  	_ =	shalt  }
0x55: {  	_ =	shalt  }
0x56: {  	_ =	shalt  }
0x57: {  	_ =	shalt  }
0x58: {  	_ =	shalt  }
0x59: {  	_ =	shalt  }
0x5a: {  	_ =	shalt  }
0x5b: {  	_ =	shalt  }
0x5c: {  	_ =	shalt  }
0x5d: {  	_ =	shalt  }
0x5e: {  	_ =	shalt  }
0x5f: {  	_ =	shalt  }
0x60: {  	_ =	shalt  }
0x61: {  	_ =	shalt  }
0x62: {  	_ =	shalt  }
0x63: {  	_ =	shalt  }
0x64: {  	_ =	shalt  }
0x65: {  	_ =	shalt  }
0x66: {  	_ =	shalt  }
0x67: {  	_ =	shalt  }
0x68: {  	_ =	shalt  }
0x69: {  	_ =	shalt  }
0x6a: {  	_ =	shalt  }
0x6b: {  	_ =	shalt  }
0x6c: {  	_ =	shalt  }
0x6d: {  	_ =	shalt  }
0x6e: {  	_ =	shalt  }
0x6f: {  	_ =	shalt  }
0x70: {  	_ =	shalt  }
0x71: {  	_ =	shalt  }
0x72: {  	_ =	shalt  }
0x73: {  	_ =	shalt  }
0x74: {  	_ =	shalt  }
0x75: {  	_ =	shalt  }
0x76: {  	_ =	shalt  }
0x77: {  	_ =	shalt  }
0x78: {  	_ =	shalt  }
0x79: {  	_ =	shalt  }
0x7a: {  	_ =	shalt  }
0x7b: {  	_ =	shalt  }
0x7c: {  	_ =	shalt  }
0x7d: {  	_ =	shalt  }
0x7e: {  	_ =	shalt  }
0x7f: {  	_ =	shalt  }
0x80: {  	_ =	shalt  }
0x81: {  	_ =	shalt  }
0x82: {  	_ =	shalt  }
0x83: {  	_ =	shalt  }
0x84: {  	_ =	shalt  }
0x85: {  	_ =	shalt  }
0x86: {  	_ =	shalt  }
0x87: {  	_ =	shalt  }
.Lfunc_end0:
.L_simem_size_0:
called_computation.1_lowered:
.L_overlay_start_0:
0x88: {  	s2 =	sld [smem:$0x3FD9]  }
0x89: {  	s3 =	sld [smem:$0x3FFE];
	_ =	sdelay $0x1  }
0x8a: {  	s1 =	srdreg.scid  }
0x8b: {  	s0 =	sand.u32 $0x1, s1  }
0x8c: {  	s14 =	sshll.u32 s0, $0xA;
	s2 =	sadd.s32 s3, s2  }
0x8d: {  	s2 =	sadd.s32 s2, s14  }
0x8e: {  	[smem:$0x3FC1] =	sst s2  }
0x8f: {  	_ = 	snop  }
0x90: {  	s2 =	sld [smem:$0x3FD0];
	_ =	sdelay $0x2  }
0x91: {  	s15 =	simm.s32 $0xA;
	s4 =	simm.s32 $0x10  }
0x92: {  	[smem:s4], [sflag:s15] =	dma.local [hbm:s2], $0x1  }
0x93: {  	_ =	swait.eq [sflag:s15], $0x1  }
0x94: {  	[sflag:s15] =	ssyncset.done $0x0  }
0x95: {  	[sflag:s15] =	ssyncadd.s32 $0xFFFFFFFF  }
0x96: {  	s16 =	sld [smem:$0x10];
	(tm) =	ssettm $0x1  }
0x97: {  	s17 =	sld [smem:$0x3FFB];
	_ =	sdelay $0x3  }
0x98: {  	_ =	strace s17  }
0x99: {  	s3 =	sld [smem:$0x3FFC];
	_ =	sdelay $0x3  }
0x9a: {  	_ =	strace s3  }
0x9b: {  	s3 =	sld [smem:$0x3FFD];
	_ =	sdelay $0x3  }
0x9c: {  	_ =	strace s3  }
0x9d: {  	_ =	strace $0x8FFFFFFF  }
0x9e: {  	s18 =	sld [smem:$0x3FDB];
	_ =	sdelay $0x1  }
0x9f: {  	s19 =	simm.s32 $_scs_section_size  }
0xa0: {  	s5 =	simm.s32 $_size__tile_overlayer_lowered;
	s6 =	simm.s32 $_tile_overlayer_lowered  }
0xa1: {  	s22 =	simm.s32 $0x1BFF;
	s21 =	sshll.u32 s6, $0x1;
	s3 =	sadd.s32 s19, s18  }
0xa2: {  	s7 =	simm.s32 $0x0;
	s20 =	sshll.u32 s5, $0x1;
	s5 =	sadd.s32 s21, s3  }
0xa3: {  	[timem:s7], [sflag:s22] =	dma.local [hbm:s5], s20  }
0xa4: {  	_ =	swait.ge [sflag:s22], s20  }
0xa5: {  	s4 =	ssub.s32 $0x0, s20;
	[sflag:s22] =	ssyncset.done $0x0  }
0xa6: {  	[sflag:s22] =	ssyncadd.s32 s4;
	_ =	sdelay $0x1  }
0xa7: {  	s23 =	simm.s32 $0x1B8B  }
0xa8: {  	_ =	swait.ge [sflag:s23], $0x1  }
0xa9: {  	[sflag:s23] =	ssyncset.done $0x0  }
0xaa: {  	s25 =	simm.s32 $0x1B8E;
	s24 =	sld [smem:$0x3FFE];
	[sflag:s23] =	ssyncadd.s32 $0xFFFFFFFF  }
0xab: {  	s26 =	simm.s32 $execute0_lowered;
	[smem:$0x3FD2] =	sst s25  }
0xac: {  	s5 =	sshll.u32 s26, $0x1;
	_ =	strace $0x80000049;
	[dreg:$0x1] =	wrdreg $0xFFFFFFFF  }
0xad: {  	s28 =	simm.s32 $_size_execute0_lowered;
	s3 =	sadd.s32 s3, s5;
	[dreg:$0x0] =	wrdreg $0x0  }
0xae: {  	s5 =	sshll.u32 s28, $0x1;
	[dreg:$0x2] =	wrdreg s3  }
0xaf: {  	[dreg:$0x3] =	wrdreg s5  }
0xb0: {  	[dreg:$0x4] =	wrdreg $0xC0  }
0xb1: {  	_ =	task [dreg:s7], $0x5FFFF  }
0xb2: {  	[dreg:$0x1] =	wrdreg $0xFFFFFFFF  }
0xb3: {  	[dreg:$0x0] =	wrdreg $0x60  }
0xb4: {  	[dreg:$0x2] =	wrdreg s24  }
0xb5: {  	[dreg:$0x3] =	wrdreg s16  }
0xb6: {  	[dreg:$0x4] =	wrdreg $0x9  }
0xb7: {  	_ =	task.clear_ibuf [dreg:s7], $0x5FFFF;
	_ =	strace $0x90000049  }
0xb8: {  	s29 =	simm.s32 $0x9;
	_ =	strace $0x8000004B  }
0xb9: {  	_ =	swait.ge [sflag:s29], $0x1  }
0xba: {  	[sflag:s29] =	ssyncadd.s32 $0xFFFFFFFF  }
0xbb: {  	_ =	strace $0x9000004B  }
0xbc: {  	_ =	sfence  }
0xbd: {  	s30 =	sld [smem:$0x0];
	_ =	sdelay $0x2  }
0xbe: {  	s31 =	sshll.u32 s1, $0xD;
	s1 =	sshrl.u32 s1, $0x2  }
0xbf: {  	s3 =	sand.u32 $0x4000, s31;
	s1 =	sadd.s32 s1, s30  }
0xc0: {  	s0 =	sor.u32 s3, s0;
	s1 =	sshll.u32 s1, $0x11  }
0xc1: {  	s0 =	sor.u32 s1, s0  }
0xc2: {  	s0 =	sadd.s32 $0x8F2B, s0  }
0xc3: {  	[sflag:s0] =	ssyncadd.remote.s32 $0x1  }
0xc4: {  	_ =	sfence.sel $0xFFFF  }
0xc5: {  	[dreg:$0x0] =	wrdreg $0xFFFFFFFF;
	(pc) =	sbr.abs _section_cstart, $3  }
0xc6: {  	[dreg:$0x1] =	wrdreg $0xFFFFFFFF  }
0xc7: {  	_ =	task.clear_ibuf [dreg:s7], $0x2FFFF;
	_ =	strace $0x9FFFFFFF  }
0xc8: {  	(tm) =	ssettm $0x7FFFFFFF  }
0xc9: {  	_ =	shalt  }
tec
execute0_lowered:
.L_overlay_start_1:
0x0: {  	(tag) =	ssettag $0x1  }
0x1: {  	s0 =	rddreg [dreg:$0x0]  }
0x2: {  	s5 =	rddreg [dreg:$0x1];
	s3 =	srdreg.scid  }
0x3: {  	s2 =	simm.s32 $0x0;
	s1 =	stileid.u32;
	s26 =	simm.s32 $0x880  }
0x4: {  	s10 =	simm.s32 $0x1880;
	s11 =	simm.s32 $0x2080;
	s12 =	simm.s32 $0x2880  }
0x5: {  	s13 =	simm.s32 $0x3080;
	s14 =	simm.s32 $0x3880;
	s15 =	simm.s32 $0x4080  }
0x6: {  	s16 =	simm.s32 $0x4880;
	s17 =	simm.s32 $0x5080;
	s18 =	simm.s32 $0x5880  }
0x7: {  	s19 =	simm.s32 $0x6080;
	s20 =	simm.s32 $0x6880;
	s21 =	simm.s32 $0x7080  }
0x8: {  	s22 =	simm.s32 $0x7880;
	s28 =	simm.s32 $0xA080;
	s29 =	simm.s32 $0xA880  }
0x9: {  	s30 =	simm.s32 $0xB080;
	s31 =	simm.s32 $0xB880;
	s3 =	sand.u32 $0x1, s3  }
0xa: {  	[smem:$0x7FF] =	sst s2;
	s4 =	sshll.u32 s1, $0x4;
	s6 =	sshll.u32 s3, $0x3  }
0xb: {  	_ =	strace $0x8000004A;
	s23 =	ssub.s32 $0x2, s3;
	s3 =	sadd.s32 $0x1200, s0  }
0xc: {  	[dreg:$0x5] =	wrdreg s26;
	s26 =	simm.s32 $0x9880;
	s4 =	sor.u32 s6, s4  }
0xd: {  	s8 =	sshrl.u32 s23, $0x1;
	s7 =	sadd.s32 s4, s0;
	s9 =	smul.u32 $0x300, s4  }
0xe: {  	s6 =	ssub.s32 s23, s8;
	s4 =	sadd.s32 $0x1300, s0;
	s8 =	simm.s32 $0x80  }
0xf: {  	s23 =	simm.s32 $0x8080;
	s24 =	sadd.s32 $0x1000, s7;
	s6 =	smax.u32 s6, $0x1  }
0x10: {  	v2 =	vlaneseq.u32;
	s7 =	simm.s32 $0x2;
	[dreg:$0x3] =	wrdreg s24;
	s25 =	sadd.s32 s5, s9  }
0x11: {  	vm0 =	vmmov $0xffff;
	v1 =	vshrl.u32 v2, $0x3;
	s5 =	sadd.s32 $0x1400, s0;
	s9 =	simm.s32 $0x1080;
	s24 =	simm.s32 $0x8880  }
0x12: {  	v0 =	vand.u32 $0x7, v2;
	v2 =	vor.u32 $0x8, v2;
	v1 =	vmul.u32 $0x8, v1;
	s0 =	simm.s32 $0x1;
	[dreg:$0x4] =	wrdreg s25;
	s25 =	simm.s32 $0x9080  }
.LBB2_1:
0x13: {  	s1 =	rddreg [dreg:$0x3]  }
0x14: {  	[tilespmem:s2], [sflag:$0x2] =	stream.linear.gather [hbm4b:s1+s2], $0x40, $0x38;
	[tilespmem:$0xC080] =	vst v63  }
0x15: {  	_ =	swait.ge [sflag:s7], $0x40  }
0x16: {  	[sflag:s7] =	ssyncset.done $0x0  }
0x17: {  	[sflag:s7] =	ssyncadd.s32 $0xFFFFFFC0  }
0x18: {  	v3 =	vld [tilespmem:$0x0];
	_ =	sdelay $0x4  }
0x19: {  	v4 =	vshrl.u32 v3, $0x3  }
0x1a: {  	v4 =	vmul.u32 $0x30, v4  }
0x1b: {  	v3 =	vand.u32 $0x7, v3  }
0x1c: {  	v3 =	vor.u32 v3, v4  }
0x1d: {  	v4 =	vperm.xlane v3, v0;
	_ =	sdelay $0x1  }
0x1e: {  	v4 =	vadd.s32 v1, v4;
	_ =	sdelay $0x3  }
0x1f: {  	v3 =	vperm.xlane v3, v2  }
0x20: {  	[tilespmem:s8], [sflag:$0x1] =	stream.indirect_vreg.gather [hbm4b:s3+s2], $0x80, v4, vm0, $0xb8;
	[tilespmem:$0xC080] =	vst v63  }
0x21: {  	s1 =	rddreg [dreg:$0x5];
	v3 =	vadd.s32 v1, v3  }
0x22: {  	[tilespmem:s1], [sflag:$0x1] =	stream.indirect_vreg.gather [hbm4b:s4+s2], $0x80, v4, vm0, $0xb8;
	[tilespmem:$0xC080] =	vst v63  }
0x23: {  	_ = 	snop  }
0x24: {  	[tilespmem:s9], [sflag:$0x1] =	stream.indirect_vreg.gather [hbm4b:s5+s2], $0x80, v4, vm0, $0xb8;
	[tilespmem:$0xC080] =	vst v63  }
0x25: {  	_ = 	snop  }
0x26: {  	[tilespmem:s10], [sflag:$0x1] =	stream.indirect_vreg.gather [hbm4b:s3+s2], $0x80, v3, vm0, $0xb8;
	[tilespmem:$0xC080] =	vst v63  }
0x27: {  	_ = 	snop  }
0x28: {  	[tilespmem:s11], [sflag:$0x1] =	stream.indirect_vreg.gather [hbm4b:s4+s2], $0x80, v3, vm0, $0xb8;
	[tilespmem:$0xC080] =	vst v63  }
0x29: {  	_ = 	snop  }
0x2a: {  	[tilespmem:s12], [sflag:$0x1] =	stream.indirect_vreg.gather [hbm4b:s5+s2], $0x80, v3, vm0, $0xb8;
	[tilespmem:$0xC080] =	vst v63  }
0x2b: {  	v3 =	vld [tilespmem:$0x10];
	_ =	sdelay $0x4  }
0x2c: {  	v61 =	vshrl.u32 v3, $0x3  }
0x2d: {  	v4 =	vmul.u32 $0x30, v61  }
0x2e: {  	v3 =	vand.u32 $0x7, v3  }
0x2f: {  	v3 =	vor.u32 v3, v4  }
0x30: {  	v4 =	vperm.xlane v3, v0;
	_ =	sdelay $0x1  }
0x31: {  	v4 =	vadd.s32 v1, v4;
	_ =	sdelay $0x3  }
0x32: {  	v3 =	vperm.xlane v3, v2  }
0x33: {  	[tilespmem:s13], [sflag:$0x1] =	stream.indirect_vreg.gather [hbm4b:s3+s2], $0x80, v4, vm0, $0xb8;
	[tilespmem:$0xC080] =	vst v63  }
0x34: {  	v3 =	vadd.s32 v1, v3  }
0x35: {  	[tilespmem:s14], [sflag:$0x1] =	stream.indirect_vreg.gather [hbm4b:s4+s2], $0x80, v4, vm0, $0xb8;
	[tilespmem:$0xC080] =	vst v63  }
0x36: {  	_ = 	snop  }
0x37: {  	[tilespmem:s15], [sflag:$0x1] =	stream.indirect_vreg.gather [hbm4b:s5+s2], $0x80, v4, vm0, $0xb8;
	[tilespmem:$0xC080] =	vst v63  }
0x38: {  	_ = 	snop  }
0x39: {  	[tilespmem:s16], [sflag:$0x1] =	stream.indirect_vreg.gather [hbm4b:s3+s2], $0x80, v3, vm0, $0xb8;
	[tilespmem:$0xC080] =	vst v63  }
0x3a: {  	_ = 	snop  }
0x3b: {  	[tilespmem:s17], [sflag:$0x1] =	stream.indirect_vreg.gather [hbm4b:s4+s2], $0x80, v3, vm0, $0xb8;
	[tilespmem:$0xC080] =	vst v63  }
0x3c: {  	_ = 	snop  }
0x3d: {  	[tilespmem:s18], [sflag:$0x1] =	stream.indirect_vreg.gather [hbm4b:s5+s2], $0x80, v3, vm0, $0xb8;
	[tilespmem:$0xC080] =	vst v63  }
0x3e: {  	v3 =	vld [tilespmem:$0x20];
	_ =	sdelay $0x4  }
0x3f: {  	v62 =	vshrl.u32 v3, $0x3  }
0x40: {  	v4 =	vmul.u32 $0x30, v62  }
0x41: {  	v3 =	vand.u32 $0x7, v3  }
0x42: {  	v3 =	vor.u32 v3, v4  }
0x43: {  	v4 =	vperm.xlane v3, v0;
	_ =	sdelay $0x1  }
0x44: {  	v4 =	vadd.s32 v1, v4;
	_ =	sdelay $0x3  }
0x45: {  	v3 =	vperm.xlane v3, v2  }
0x46: {  	[tilespmem:s19], [sflag:$0x1] =	stream.indirect_vreg.gather [hbm4b:s3+s2], $0x80, v4, vm0, $0xb8;
	[tilespmem:$0xC080] =	vst v63  }
0x47: {  	v3 =	vadd.s32 v1, v3  }
0x48: {  	[tilespmem:s20], [sflag:$0x1] =	stream.indirect_vreg.gather [hbm4b:s4+s2], $0x80, v4, vm0, $0xb8;
	[tilespmem:$0xC080] =	vst v63  }
0x49: {  	_ = 	snop  }
0x4a: {  	[tilespmem:s21], [sflag:$0x1] =	stream.indirect_vreg.gather [hbm4b:s5+s2], $0x80, v4, vm0, $0xb8;
	[tilespmem:$0xC080] =	vst v63  }
0x4b: {  	_ = 	snop  }
0x4c: {  	[tilespmem:s22], [sflag:$0x1] =	stream.indirect_vreg.gather [hbm4b:s3+s2], $0x80, v3, vm0, $0xb8;
	[tilespmem:$0xC080] =	vst v63  }
0x4d: {  	_ = 	snop  }
0x4e: {  	[tilespmem:s23], [sflag:$0x1] =	stream.indirect_vreg.gather [hbm4b:s4+s2], $0x80, v3, vm0, $0xb8;
	[tilespmem:$0xC080] =	vst v63  }
0x4f: {  	_ = 	snop  }
0x50: {  	[tilespmem:s24], [sflag:$0x1] =	stream.indirect_vreg.gather [hbm4b:s5+s2], $0x80, v3, vm0, $0xb8;
	[tilespmem:$0xC080] =	vst v63  }
0x51: {  	v3 =	vld [tilespmem:$0x30];
	_ =	sdelay $0x4  }
0x52: {  	v63 =	vshrl.u32 v3, $0x3  }
0x53: {  	v4 =	vmul.u32 $0x30, v63  }
0x54: {  	v3 =	vand.u32 $0x7, v3  }
0x55: {  	v3 =	vor.u32 v3, v4  }
0x56: {  	v4 =	vperm.xlane v3, v0;
	_ =	sdelay $0x1  }
0x57: {  	v4 =	vadd.s32 v1, v4;
	_ =	sdelay $0x3  }
0x58: {  	v3 =	vperm.xlane v3, v2  }
0x59: {  	[tilespmem:s25], [sflag:$0x1] =	stream.indirect_vreg.gather [hbm4b:s3+s2], $0x80, v4, vm0, $0xb8;
	[tilespmem:$0xC080] =	vst v63  }
0x5a: {  	v3 =	vadd.s32 v1, v3  }
0x5b: {  	[tilespmem:s26], [sflag:$0x1] =	stream.indirect_vreg.gather [hbm4b:s4+s2], $0x80, v4, vm0, $0xb8;
	[tilespmem:$0xC080] =	vst v63  }
0x5c: {  	_ = 	snop  }
0x5d: {  	[tilespmem:s28], [sflag:$0x1] =	stream.indirect_vreg.gather [hbm4b:s5+s2], $0x80, v4, vm0, $0xb8;
	[tilespmem:$0xC080] =	vst v63  }
0x5e: {  	_ = 	snop  }
0x5f: {  	[tilespmem:s29], [sflag:$0x1] =	stream.indirect_vreg.gather [hbm4b:s3+s2], $0x80, v3, vm0, $0xb8;
	[tilespmem:$0xC080] =	vst v63  }
0x60: {  	_ = 	snop  }
0x61: {  	[tilespmem:s30], [sflag:$0x1] =	stream.indirect_vreg.gather [hbm4b:s4+s2], $0x80, v3, vm0, $0xb8;
	[tilespmem:$0xC080] =	vst v63  }
0x62: {  	_ = 	snop  }
0x63: {  	[tilespmem:s31], [sflag:$0x1] =	stream.indirect_vreg.gather [hbm4b:s5+s2], $0x80, v3, vm0, $0xb8;
	[tilespmem:$0xC080] =	vst v63  }
0x64: {  	_ =	swait.ge [sflag:s0], $0xC000  }
0x65: {  	p0 =	sne.s32 s6, $0x1;
	[sflag:s0] =	ssyncset.done $0x0  }
.Ltmp0:
0x66: {  	s1 =	rddreg [dreg:$0x4];
	[sflag:s0] =	ssyncadd.s32 $0xFFFF4000;
	(pc) =	sbr.rel @p0 .LBB2_1-.Ltmp0, $4  }
0x67: {  	[hbm4b:s1+s2] =	stream.linear.scatter [tilespmem:s8], [sflag:$0x2], $0xC000, $0x38;
	[tilespmem:$0xC080] =	vst v63  }
0x68: {  	_ =	swait.ge [sflag:s7], $0xC000  }
0x69: {  	[sflag:s7] =	ssyncset.done $0x0  }
0x6a: {  	s6 =	sadd.s32 $0xFFFFFFFF, s6;
	[sflag:s7] =	ssyncadd.s32 $0xFFFF4000  }
0x6b: {  	_ =	sfence.sel $0x180000  }
0x6c: {  	[bflag:$0x0] =	sbarrier.arrive $0xFFFF  }
0x6d: {  	_ =	strace $0x9000004A  }
0x6e: {  	s0 =	stileid.u32;
	[bflag:$0x2] =	sbarrier.arrive $0xFFFF  }
0x6f: {  	p0 =	sne.s32 s0, $0x0;
	s0 =	rddreg [dreg:$0x2]  }
0x70: {  	s0 =	sadd.s32 @!p0 $0x100000, s0  }
0x71: {  	[sflag:s0] =	ssyncadd.tile.s32 @!p0 $0x1;
	_ =	shalt  }
.Lfunc_end2:
_tile_overlayer_lowered:
.L_overlay_start_2:
0x72: {  	(tag) =	ssettag $0x2  }
0x73: {  	s0 =	rddreg [dreg:$0x0];
	s2 =	stileid.u32  }
0x74: {  	s1 =	rddreg [dreg:$0x1];
	p0 =	sne.s32 s2, $0x0  }
0x75: {  	s3 =	rddreg [dreg:$0x2];
	[bflag:$0x3] =	sbarrier.arrive $0xFFFF;
	s2 =	simm.s32 @!p0 $0x1C02  }
0x76: {  	[timem:s3], [sflag:s2] =	dma.local @!p0 [hbm:s0], s1  }
0x77: {  	s0 =	simm.s32 @!p0 $0x2  }
0x78: {  	_ =	swait.ge @!p0 [sflag:s0], s1  }
0x79: {  	s1 =	ssub.s32 @!p0 $0x0, s1;
	[sflag:s0] =	ssyncset.done @!p0 $0x0  }
0x7a: {  	[sflag:s0] =	ssyncadd.s32 @!p0 s1  }
0x7b: {  	[bflag:$0x3] =	sbarrier.arrive $0xFFFF  }
0x7c: {  	_ =	shalt  }

</sc_bundles>
